<compile_context>
chip_gen: v7x
topology: tpu7x:2x2x1
jax: 0.10.2.dev20260603
libtpu: 0.0.44.dev20260713+nightly
codegen_flags: <defaults>
</compile_context>

<pallas_src>
import functools

import jax
import jax.numpy as jnp
from jax import lax
from jax.experimental import pallas as pl
from jax.experimental.pallas import tpu as pltpu
from jax.experimental.pallas import tpu_sc as plsc

N = 10000
E = 320000
G = 16
INC = 128
HIDC = 256
LATC = 128

NC = 2
NS = 16
NW = NC * NS
CHUNK = 128
JJ = 8
TT = 10
EPAD = NW * TT * JJ * CHUNK
NPAD = 10112
RPT = NPAD // NS

_MESH = plsc.VectorSubcoreMesh(core_axis_name="c", subcore_axis_name="s")


@functools.partial(
    pl.kernel,
    out_type=jax.ShapeDtypeStruct((NC, NPAD, INC), jnp.float32),
    mesh=_MESH,
    scratch_types=[
        pltpu.VMEM((JJ, CHUNK), jnp.int32),
        pltpu.VMEM((CHUNK, INC), jnp.float32),
        pltpu.VMEM_SHARED((NPAD, INC), jnp.float32),
    ],
)
def _deg_kernel(dst_hbm, ones_hbm, z128_hbm, out_hbm, dst_v, ones_v, deg_sh):
    c = lax.axis_index("c")
    s = lax.axis_index("s")
    wid = c * NS + s
    pltpu.sync_copy(ones_hbm, ones_v)
    pltpu.sync_copy(z128_hbm, deg_sh.at[pl.ds(s * RPT, RPT)])
    plsc.subcore_barrier()

    @pl.loop(0, TT)
    def _(t):
        pltpu.sync_copy(dst_hbm.at[wid, t], dst_v)

        @pl.loop(0, JJ)
        def _(j):
            pltpu.sync_copy(ones_v, deg_sh.at[dst_v.at[j]], add=True)

    plsc.subcore_barrier()
    pltpu.sync_copy(deg_sh.at[pl.ds(s * RPT, RPT)],
                    out_hbm.at[c, pl.ds(s * RPT, RPT)])


K2BLK = 2528
K2NBLK = NPAD // K2BLK


def _scale_body(deg_ref, x_ref, dinv_ref, xs_ref):
    j = pl.program_id(0)
    deg = deg_ref[...] + 1.0
    row = lax.broadcasted_iota(jnp.int32, (K2BLK, 1), 0) + j * K2BLK
    valid = row < N
    dinv = jnp.where(valid, lax.rsqrt(deg), 0.0)
    dinv_ref[...] = dinv
    xs_ref[...] = x_ref[...] * dinv


@functools.partial(
    pl.kernel,
    out_type=jax.ShapeDtypeStruct((NC, NPAD, INC), jnp.float32),
    mesh=_MESH,
    scratch_types=[
        pltpu.VMEM((JJ, CHUNK), jnp.int32),
        pltpu.VMEM((JJ, CHUNK), jnp.int32),
        pltpu.VMEM((CHUNK, INC), jnp.float32),
        pltpu.VMEM_SHARED((NPAD, INC), jnp.float32),
    ],
)
def _prop_kernel(xs_hbm, src_hbm, dst_hbm, z128_hbm, p1_out,
                 src_v, dst_v, rows_v, p1_sh):
    c = lax.axis_index("c")
    s = lax.axis_index("s")
    wid = c * NS + s
    pltpu.sync_copy(z128_hbm, p1_sh.at[pl.ds(s * RPT, RPT)])
    plsc.subcore_barrier()

    @pl.loop(0, TT)
    def _(t):
        pltpu.sync_copy(src_hbm.at[wid, t], src_v)
        pltpu.sync_copy(dst_hbm.at[wid, t], dst_v)

        @pl.loop(0, JJ)
        def _(j):
            pltpu.sync_copy(xs_hbm.at[src_v.at[j]], rows_v)
            pltpu.sync_copy(rows_v, p1_sh.at[dst_v.at[j]], add=True)

    plsc.subcore_barrier()

    plsc.subcore_barrier()

    @pl.when(s == NS - 1)
    def _():
        pltpu.sync_copy(z128_hbm.at[pl.ds(0, 8)], p1_sh.at[pl.ds(N, 8)])

    plsc.subcore_barrier()
    pltpu.sync_copy(p1_sh.at[pl.ds(s * RPT, RPT)],
                    p1_out.at[c, pl.ds(s * RPT, RPT)])


BLK = 2528
NBLK = NPAD // BLK


def _mlp_body(p1_ref, xs_ref, dinv_ref, w1_ref, b1_ref, w2_ref,
              h2_ref, hq_ref):
    hp = jax.lax.Precision.HIGHEST
    p1 = p1_ref[0] + p1_ref[1]
    dinv = dinv_ref[...]
    a1 = (p1 + xs_ref[...]) * dinv
    h = jnp.maximum(
        jnp.dot(a1, w1_ref[...], precision=hp) + b1_ref[...], 0.0)
    h2 = jnp.dot(h, w2_ref[...], precision=hp)
    h2_ref[...] = h2
    hq_ref[...] = h2 * dinv


def _pool_body(ph_ref, h2_ref, dinv_ref, batch_ref, b2_ref,
               out_ref, acc, cacc):
    j = pl.program_id(0)

    @pl.when(j == 0)
    def _():
        acc[...] = jnp.zeros_like(acc)
        cacc[...] = jnp.zeros_like(cacc)

    hp = jax.lax.Precision.HIGHEST
    dinv = dinv_ref[...]
    ph = ph_ref[0] + ph_ref[1]
    o2 = (ph + h2_ref[...] * dinv) * dinv
    bc = batch_ref[...]
    gi = lax.broadcasted_iota(jnp.int32, (BLK, G), 1)
    oneh = (gi == bc).astype(jnp.float32)
    tdims = (((0,), (0,)), ((), ()))
    acc[...] += lax.dot_general(oneh, o2, tdims, precision=hp)
    cacc[...] += lax.dot_general(
        oneh, jnp.ones((BLK, LATC), jnp.float32), tdims, precision=hp)

    @pl.when(j == NBLK - 1)
    def _():
        out_ref[...] = acc[...] / jnp.maximum(cacc[...], 1.0) + b2_ref[...]


def kernel(x, edge_index, batch, W1, b1, W2, b2):
    src = edge_index[0].astype(jnp.int32)
    dst = edge_index[1].astype(jnp.int32)
    npad = EPAD - E
    src4 = jnp.concatenate([src, jnp.zeros((npad,), jnp.int32)])
    dst4 = jnp.concatenate([dst, jnp.full((npad,), N, jnp.int32)])
    src4 = src4.reshape(NW, TT, JJ, CHUNK)
    dst4 = dst4.reshape(NW, TT, JJ, CHUNK)
    batch_i = batch.astype(jnp.int32)
    batch_col = jnp.concatenate(
        [batch_i, jnp.full((NPAD - N,), -1, jnp.int32)]).reshape(NPAD, 1)
    x_p = jnp.concatenate(
        [x, jnp.zeros((NPAD - N, INC), jnp.float32)], axis=0)

    z128 = jnp.zeros((RPT, INC), jnp.float32)
    ones128 = jnp.ones((CHUNK, INC), jnp.float32)

    deg_parts = _deg_kernel(dst4, ones128, z128)
    deg_col = deg_parts[0, :, 0:1] + deg_parts[1, :, 0:1]

    dinv_col, xs = pl.pallas_call(
        _scale_body,
        grid=(K2NBLK,),
        in_specs=[
            pl.BlockSpec((K2BLK, 1), lambda j: (j, 0)),
            pl.BlockSpec((K2BLK, INC), lambda j: (j, 0)),
        ],
        out_specs=[
            pl.BlockSpec((K2BLK, 1), lambda j: (j, 0)),
            pl.BlockSpec((K2BLK, INC), lambda j: (j, 0)),
        ],
        out_shape=[
            jax.ShapeDtypeStruct((NPAD, 1), jnp.float32),
            jax.ShapeDtypeStruct((NPAD, INC), jnp.float32),
        ],
    )(deg_col, x_p)

    p1_parts = _prop_kernel(xs, src4, dst4, z128)

    h2, hq = pl.pallas_call(
        _mlp_body,
        grid=(NBLK,),
        in_specs=[
            pl.BlockSpec((NC, BLK, INC), lambda j: (0, j, 0)),
            pl.BlockSpec((BLK, INC), lambda j: (j, 0)),
            pl.BlockSpec((BLK, 1), lambda j: (j, 0)),
            pl.BlockSpec((INC, HIDC), lambda j: (0, 0)),
            pl.BlockSpec((1, HIDC), lambda j: (0, 0)),
            pl.BlockSpec((HIDC, LATC), lambda j: (0, 0)),
        ],
        out_specs=[
            pl.BlockSpec((BLK, LATC), lambda j: (j, 0)),
            pl.BlockSpec((BLK, LATC), lambda j: (j, 0)),
        ],
        out_shape=[
            jax.ShapeDtypeStruct((NPAD, LATC), jnp.float32),
            jax.ShapeDtypeStruct((NPAD, LATC), jnp.float32),
        ],
    )(p1_parts, xs, dinv_col, W1, b1.reshape(1, HIDC), W2)

    ph_parts = _prop_kernel(hq, src4, dst4, z128)

    latent = pl.pallas_call(
        _pool_body,
        grid=(NBLK,),
        in_specs=[
            pl.BlockSpec((NC, BLK, LATC), lambda j: (0, j, 0)),
            pl.BlockSpec((BLK, LATC), lambda j: (j, 0)),
            pl.BlockSpec((BLK, 1), lambda j: (j, 0)),
            pl.BlockSpec((BLK, 1), lambda j: (j, 0)),
            pl.BlockSpec((1, LATC), lambda j: (0, 0)),
        ],
        out_specs=pl.BlockSpec((G, LATC), lambda j: (0, 0)),
        out_shape=jax.ShapeDtypeStruct((G, LATC), jnp.float32),
        scratch_shapes=[
            pltpu.VMEM((G, LATC), jnp.float32),
            pltpu.VMEM((G, LATC), jnp.float32),
        ],
    )(ph_parts, h2, dinv_col, batch_col, b2.reshape(1, LATC))

    return latent

# --- scband reference (transcript-rebuilt; emitter-appended) ---
"""Pipeline reference for scband-mesh-encoder-16999480557962 (READ-ONLY COPY).

The authoritative reference and input builder live on the scoring server;
editing this copy changes nothing except your own understanding.
"""

import jax, jax.numpy as jnp
import numpy as np

N_NODES = 10000
N_EDGES = 320000
IN_CH = 128
HID = 256
LAT = 128
N_GRAPHS = 16


def gcn_conv(x, edge_index, W, b, num_nodes):
    # PyG GCNConv: symmetric normalization with self-loops, lin -> propagate -> bias
    src = edge_index[0]
    dst = edge_index[1]
    loop = jnp.arange(num_nodes, dtype=src.dtype)
    src = jnp.concatenate([src, loop])
    dst = jnp.concatenate([dst, loop])
    ew = jnp.ones(src.shape[0], dtype=x.dtype)
    deg = jnp.zeros((num_nodes,), dtype=x.dtype).at[dst].add(ew)
    dinv = jnp.where(deg > 0, 1.0 / jnp.sqrt(deg), 0.0)
    norm = dinv[src] * ew * dinv[dst]
    h = x @ W
    msg = h[src] * norm[:, None]
    out = jnp.zeros((num_nodes, W.shape[1]), dtype=x.dtype).at[dst].add(msg)
    return out + b


def setup_inputs(seed: int = 0):
    key = jax.random.key(seed)
    k1, k2, k3, k4, k5, k6, k7 = jax.random.split(key, 7)
    x = jax.random.normal(k1, (N_NODES, IN_CH), dtype=jnp.float32)
    edge_index = jax.random.randint(k2, (2, N_EDGES), 0, N_NODES)
    batch = jnp.sort(jax.random.randint(k3, (N_NODES,), 0, N_GRAPHS))
    W1 = jax.random.normal(k4, (IN_CH, HID), dtype=jnp.float32) * 0.05
    b1 = jnp.zeros((HID,), dtype=jnp.float32)
    W2 = jax.random.normal(k5, (HID, LAT), dtype=jnp.float32) * 0.05
    b2 = jnp.zeros((LAT,), dtype=jnp.float32)
    return {"x": x, "edge_index": edge_index, "batch": batch,
            "W1": W1, "b1": b1, "W2": W2, "b2": b2}


def reference(x, edge_index, batch, W1, b1, W2, b2):
    h = jax.nn.relu(gcn_conv(x, edge_index, W1, b1, N_NODES))
    h = gcn_conv(h, edge_index, W2, b2, N_NODES)
    # global_mean_pool
    sums = jax.ops.segment_sum(h, batch, num_segments=N_GRAPHS)
    counts = jax.ops.segment_sum(jnp.ones((h.shape[0], 1), dtype=h.dtype), batch, num_segments=N_GRAPHS)
    latent = sums / jnp.maximum(counts, 1.0)
    return latent

if __name__ == "__main__":
    import jax
    _d = setup_inputs()
    print(jax.jit(kernel)(*tuple(_d.values())))

</pallas_src>

<mosaic_0001>
#map = affine_map<(d0, d1) -> (0, 0, 0, 0)>
#map1 = affine_map<(d0, d1) -> (0, 0)>
#map2 = affine_map<(d0, d1) -> (0, 0, 0)>
module attributes {stable_mosaic.version = 14 : i64} {
  func.func @_deg_kernel(%arg0: i32, %arg1: i32, %arg2: memref<32x10x8x128xi32, #tpu.memory_space<hbm>>, %arg3: memref<128x128xf32, #tpu.memory_space<hbm>>, %arg4: memref<632x128xf32, #tpu.memory_space<hbm>>, %arg5: memref<2x10112x128xf32, #tpu.memory_space<hbm>>, %arg6: memref<8x128xi32, #tpu.memory_space<vmem>>, %arg7: memref<128x128xf32, #tpu.memory_space<vmem>>, %arg8: memref<10112x128xf32, #tpu.memory_space<vmem_shared>>) attributes {dimension_semantics = [#tpu.dimension_semantics<core_parallel>, #tpu.dimension_semantics<subcore_parallel>], iteration_bounds = array<i64: 2, 16>, scalar_prefetch = 0 : i64, scratch_operands = 3 : i64, tpu.core_type = #tpu.core_type<sc_vector_subcore>, window_params = [{transform_indices = #map}, {transform_indices = #map1}, {transform_indices = #map1}, {transform_indices = #map2}]} {
    %mul3A = arith.constant 16 : i32
    %mul3A_0 = arith.muli %arg0, %mul3A : i32
    %add3A = arith.addi %mul3A_0, %arg1 : i32
    "tpu.region"() ({
      %run_scoped3A = tpu.sem_alloc : memref<!tpu.dma_semaphore, #tpu.memory_space<semaphore_mem>>
      tpu.enqueue_dma source(%arg3 : memref<128x128xf32, #tpu.memory_space<hbm>>) target(%arg7 : memref<128x128xf32, #tpu.memory_space<vmem>>) target_semaphore(%run_scoped3A : memref<!tpu.dma_semaphore, #tpu.memory_space<semaphore_mem>>)
      tpu.wait_dma2 semaphore(%run_scoped3A : memref<!tpu.dma_semaphore, #tpu.memory_space<semaphore_mem>>) src(%arg3 : memref<128x128xf32, #tpu.memory_space<hbm>>) dst(%arg7 : memref<128x128xf32, #tpu.memory_space<vmem>>)
      tpu.yield
    }) : () -> ()
    %mul3A_1 = arith.constant 632 : i32
    %mul3A_2 = arith.muli %arg1, %mul3A_1 : i32
    "tpu.region"() ({
      %run_scoped3A = tpu.sem_alloc : memref<!tpu.dma_semaphore, #tpu.memory_space<semaphore_mem>>
      %dma_start3A = arith.constant 0 : i32
      %dma_start3A_12 = tpu.memref_slice %arg8[%mul3A_2, %dma_start3A] : memref<10112x128xf32, #tpu.memory_space<vmem_shared>> -> memref<632x128xf32, #tpu.memory_space<vmem_shared>>
      tpu.enqueue_dma source(%arg4 : memref<632x128xf32, #tpu.memory_space<hbm>>) target(%dma_start3A_12 : memref<632x128xf32, #tpu.memory_space<vmem_shared>>) target_semaphore(%run_scoped3A : memref<!tpu.dma_semaphore, #tpu.memory_space<semaphore_mem>>)
      %dma_wait3A = arith.constant 0 : i32
      %dma_wait3A_13 = tpu.memref_slice %arg8[%mul3A_2, %dma_wait3A] : memref<10112x128xf32, #tpu.memory_space<vmem_shared>> -> memref<632x128xf32, #tpu.memory_space<vmem_shared>>
      tpu.wait_dma2 semaphore(%run_scoped3A : memref<!tpu.dma_semaphore, #tpu.memory_space<semaphore_mem>>) src(%arg4 : memref<632x128xf32, #tpu.memory_space<hbm>>) dst(%dma_wait3A_13 : memref<632x128xf32, #tpu.memory_space<vmem_shared>>)
      tpu.yield
    }) : () -> ()
    %barrier3A = arith.constant 0 : index
    tpu.barrier barrier_id(%barrier3A)
    %scan3A = arith.constant 0 : i32
    %scan3A_3 = arith.constant 10 : i32
    %scan3A_4 = arith.addi %scan3A, %scan3A_3 : i32
    %scan3A_5 = arith.constant 1 : i32
    scf.for %scan3A_12 = %scan3A to %scan3A_4 step %scan3A_5  : i32 {
      %mul3A_13 = arith.constant 1 : i32
      %mul3A_14 = arith.muli %scan3A_12, %mul3A_13 : i32
      %add3A_15 = arith.constant 0 : i32
      %add3A_16 = arith.addi %add3A_15, %mul3A_14 : i32
      "tpu.region"() ({
        %run_scoped3A = tpu.sem_alloc : memref<!tpu.dma_semaphore, #tpu.memory_space<semaphore_mem>>
        %dma_start3A = arith.constant 0 : i32
        %dma_start3A_22 = arith.constant 0 : i32
        %dma_start3A_23 = tpu.memref_slice %arg2[%add3A, %add3A_16, %dma_start3A, %dma_start3A_22] : memref<32x10x8x128xi32, #tpu.memory_space<hbm>> -> memref<1x1x8x128xi32, #tpu.memory_space<hbm>>
        %dma_start3A_24 = tpu.memref_squeeze %dma_start3A_23 : memref<1x1x8x128xi32, #tpu.memory_space<hbm>> -> memref<8x128xi32, #tpu.memory_space<hbm>>
        %dma_start3A_25 = arith.constant 0 : i32
        %dma_start3A_26 = arith.constant 0 : i32
        %dma_start3A_27 = tpu.memref_slice %arg2[%add3A, %add3A_16, %dma_start3A_25, %dma_start3A_26] : memref<32x10x8x128xi32, #tpu.memory_space<hbm>> -> memref<1x1x8x128xi32, #tpu.memory_space<hbm>>
        %dma_start3A_28 = tpu.memref_squeeze %dma_start3A_27 : memref<1x1x8x128xi32, #tpu.memory_space<hbm>> -> memref<8x128xi32, #tpu.memory_space<hbm>>
        tpu.enqueue_dma source(%dma_start3A_28 : memref<8x128xi32, #tpu.memory_space<hbm>>) target(%arg6 : memref<8x128xi32, #tpu.memory_space<vmem>>) target_semaphore(%run_scoped3A : memref<!tpu.dma_semaphore, #tpu.memory_space<semaphore_mem>>)
        %dma_wait3A = arith.constant 0 : i32
        %dma_wait3A_29 = arith.constant 0 : i32
        %dma_wait3A_30 = tpu.memref_slice %arg2[%add3A, %add3A_16, %dma_wait3A, %dma_wait3A_29] : memref<32x10x8x128xi32, #tpu.memory_space<hbm>> -> memref<1x1x8x128xi32, #tpu.memory_space<hbm>>
        %dma_wait3A_31 = tpu.memref_squeeze %dma_wait3A_30 : memref<1x1x8x128xi32, #tpu.memory_space<hbm>> -> memref<8x128xi32, #tpu.memory_space<hbm>>
        %dma_wait3A_32 = arith.constant 0 : i32
        %dma_wait3A_33 = arith.constant 0 : i32
        %dma_wait3A_34 = tpu.memref_slice %arg2[%add3A, %add3A_16, %dma_wait3A_32, %dma_wait3A_33] : memref<32x10x8x128xi32, #tpu.memory_space<hbm>> -> memref<1x1x8x128xi32, #tpu.memory_space<hbm>>
        %dma_wait3A_35 = tpu.memref_squeeze %dma_wait3A_34 : memref<1x1x8x128xi32, #tpu.memory_space<hbm>> -> memref<8x128xi32, #tpu.memory_space<hbm>>
        tpu.wait_dma2 semaphore(%run_scoped3A : memref<!tpu.dma_semaphore, #tpu.memory_space<semaphore_mem>>) src(%dma_wait3A_35 : memref<8x128xi32, #tpu.memory_space<hbm>>) dst(%arg6 : memref<8x128xi32, #tpu.memory_space<vmem>>)
        tpu.yield
      }) : () -> ()
      %scan3A_17 = arith.constant 0 : i32
      %scan3A_18 = arith.constant 8 : i32
      %scan3A_19 = arith.addi %scan3A_17, %scan3A_18 : i32
      %scan3A_20 = arith.constant 1 : i32
      scf.for %scan3A_22 = %scan3A_17 to %scan3A_19 step %scan3A_20  : i32 {
        %mul3A_23 = arith.constant 1 : i32
        %mul3A_24 = arith.muli %scan3A_22, %mul3A_23 : i32
        %add3A_25 = arith.constant 0 : i32
        %add3A_26 = arith.addi %add3A_25, %mul3A_24 : i32
        "tpu.region"() ({
          %run_scoped3A = tpu.sem_alloc : memref<!tpu.dma_semaphore, #tpu.memory_space<semaphore_mem>>
          %dma_start3A = arith.constant 0 : i32
          %dma_start3A_27 = tpu.memref_slice %arg6[%add3A_26, %dma_start3A] : memref<8x128xi32, #tpu.memory_space<vmem>> -> memref<1x128xi32, #tpu.memory_space<vmem>>
          %dma_start3A_28 = tpu.memref_squeeze %dma_start3A_27 : memref<1x128xi32, #tpu.memory_space<vmem>> -> memref<128xi32, #tpu.memory_space<vmem>>
          %dma_start3A_29 = arith.constant 0 : i32
          %dma_start3A_30 = arith.constant 0 : i32
          %dma_start3A_31 = tpu.memref_slice %arg8[%dma_start3A_29, %dma_start3A_30] : memref<10112x128xf32, #tpu.memory_space<vmem_shared>> -> memref<10112x128xf32, #tpu.memory_space<vmem_shared>>
          tpu.enqueue_indirect_dma source(%arg7 : memref<128x128xf32, #tpu.memory_space<vmem>>) target(%dma_start3A_31 : memref<10112x128xf32, #tpu.memory_space<vmem_shared>>) offsets(%dma_start3A_28 : memref<128xi32, #tpu.memory_space<vmem>>) semaphore(%run_scoped3A : memref<!tpu.dma_semaphore, #tpu.memory_space<semaphore_mem>>) {add = true}
          %dma_wait3A = arith.constant 0 : i32
          %dma_wait3A_32 = tpu.memref_slice %arg6[%add3A_26, %dma_wait3A] : memref<8x128xi32, #tpu.memory_space<vmem>> -> memref<1x128xi32, #tpu.memory_space<vmem>>
          %dma_wait3A_33 = tpu.memref_squeeze %dma_wait3A_32 : memref<1x128xi32, #tpu.memory_space<vmem>> -> memref<128xi32, #tpu.memory_space<vmem>>
          %dma_wait3A_34 = arith.constant 0 : i32
          %dma_wait3A_35 = arith.constant 0 : i32
          %dma_wait3A_36 = tpu.memref_slice %arg8[%dma_wait3A_34, %dma_wait3A_35] : memref<10112x128xf32, #tpu.memory_space<vmem_shared>> -> memref<10112x128xf32, #tpu.memory_space<vmem_shared>>
          tpu.wait_indirect_dma semaphore(%run_scoped3A : memref<!tpu.dma_semaphore, #tpu.memory_space<semaphore_mem>>) src(%arg7 : memref<128x128xf32, #tpu.memory_space<vmem>>) dst(%dma_wait3A_36 : memref<10112x128xf32, #tpu.memory_space<vmem_shared>>)
          tpu.yield
        }) : () -> ()
      }
      %scan3A_21 = arith.constant 8 : i32
    }
    %scan3A_6 = arith.constant 10 : i32
    %barrier3A_7 = arith.constant 0 : index
    tpu.barrier barrier_id(%barrier3A_7)
    %mul3A_8 = arith.constant 632 : i32
    %mul3A_9 = arith.muli %arg1, %mul3A_8 : i32
    %mul3A_10 = arith.constant 632 : i32
    %mul3A_11 = arith.muli %arg1, %mul3A_10 : i32
    "tpu.region"() ({
      %run_scoped3A = tpu.sem_alloc : memref<!tpu.dma_semaphore, #tpu.memory_space<semaphore_mem>>
      %dma_start3A = arith.constant 0 : i32
      %dma_start3A_12 = tpu.memref_slice %arg5[%arg0, %mul3A_11, %dma_start3A] : memref<2x10112x128xf32, #tpu.memory_space<hbm>> -> memref<1x632x128xf32, #tpu.memory_space<hbm>>
      %dma_start3A_13 = tpu.memref_squeeze %dma_start3A_12 : memref<1x632x128xf32, #tpu.memory_space<hbm>> -> memref<632x128xf32, #tpu.memory_space<hbm>>
      %dma_start3A_14 = arith.constant 0 : i32
      %dma_start3A_15 = tpu.memref_slice %arg8[%mul3A_9, %dma_start3A_14] : memref<10112x128xf32, #tpu.memory_space<vmem_shared>> -> memref<632x128xf32, #tpu.memory_space<vmem_shared>>
      tpu.enqueue_dma source(%dma_start3A_15 : memref<632x128xf32, #tpu.memory_space<vmem_shared>>) target(%dma_start3A_13 : memref<632x128xf32, #tpu.memory_space<hbm>>) target_semaphore(%run_scoped3A : memref<!tpu.dma_semaphore, #tpu.memory_space<semaphore_mem>>)
      %dma_wait3A = arith.constant 0 : i32
      %dma_wait3A_16 = tpu.memref_slice %arg5[%arg0, %mul3A_11, %dma_wait3A] : memref<2x10112x128xf32, #tpu.memory_space<hbm>> -> memref<1x632x128xf32, #tpu.memory_space<hbm>>
      %dma_wait3A_17 = tpu.memref_squeeze %dma_wait3A_16 : memref<1x632x128xf32, #tpu.memory_space<hbm>> -> memref<632x128xf32, #tpu.memory_space<hbm>>
      %dma_wait3A_18 = arith.constant 0 : i32
      %dma_wait3A_19 = tpu.memref_slice %arg8[%mul3A_9, %dma_wait3A_18] : memref<10112x128xf32, #tpu.memory_space<vmem_shared>> -> memref<632x128xf32, #tpu.memory_space<vmem_shared>>
      tpu.wait_dma2 semaphore(%run_scoped3A : memref<!tpu.dma_semaphore, #tpu.memory_space<semaphore_mem>>) src(%dma_wait3A_19 : memref<632x128xf32, #tpu.memory_space<vmem_shared>>) dst(%dma_wait3A_17 : memref<632x128xf32, #tpu.memory_space<hbm>>)
      tpu.yield
    }) : () -> ()
    return
  }
}

#map = affine_map<(d0, d1) -> (0, 0)>
#map1 = affine_map<(d0, d1) -> (0, 0, 0, 0)>
#map2 = affine_map<(d0, d1) -> (0, 0, 0)>
module attributes {stable_mosaic.version = 14 : i64} {
  func.func @_prop_kernel(%arg0: i32, %arg1: i32, %arg2: memref<10112x128xf32, #tpu.memory_space<hbm>>, %arg3: memref<32x10x8x128xi32, #tpu.memory_space<hbm>>, %arg4: memref<32x10x8x128xi32, #tpu.memory_space<hbm>>, %arg5: memref<632x128xf32, #tpu.memory_space<hbm>>, %arg6: memref<2x10112x128xf32, #tpu.memory_space<hbm>>, %arg7: memref<8x128xi32, #tpu.memory_space<vmem>>, %arg8: memref<8x128xi32, #tpu.memory_space<vmem>>, %arg9: memref<128x128xf32, #tpu.memory_space<vmem>>, %arg10: memref<10112x128xf32, #tpu.memory_space<vmem_shared>>) attributes {dimension_semantics = [#tpu.dimension_semantics<core_parallel>, #tpu.dimension_semantics<subcore_parallel>], iteration_bounds = array<i64: 2, 16>, scalar_prefetch = 0 : i64, scratch_operands = 4 : i64, tpu.core_type = #tpu.core_type<sc_vector_subcore>, window_params = [{transform_indices = #map}, {transform_indices = #map1}, {transform_indices = #map1}, {transform_indices = #map}, {transform_indices = #map2}]} {
    %mul3A = arith.constant 16 : i32
    %mul3A_0 = arith.muli %arg0, %mul3A : i32
    %add3A = arith.addi %mul3A_0, %arg1 : i32
    %mul3A_1 = arith.constant 632 : i32
    %mul3A_2 = arith.muli %arg1, %mul3A_1 : i32
    "tpu.region"() ({
      %run_scoped3A = tpu.sem_alloc : memref<!tpu.dma_semaphore, #tpu.memory_space<semaphore_mem>>
      %dma_start3A = arith.constant 0 : i32
      %dma_start3A_16 = tpu.memref_slice %arg10[%mul3A_2, %dma_start3A] : memref<10112x128xf32, #tpu.memory_space<vmem_shared>> -> memref<632x128xf32, #tpu.memory_space<vmem_shared>>
      tpu.enqueue_dma source(%arg5 : memref<632x128xf32, #tpu.memory_space<hbm>>) target(%dma_start3A_16 : memref<632x128xf32, #tpu.memory_space<vmem_shared>>) target_semaphore(%run_scoped3A : memref<!tpu.dma_semaphore, #tpu.memory_space<semaphore_mem>>)
      %dma_wait3A = arith.constant 0 : i32
      %dma_wait3A_17 = tpu.memref_slice %arg10[%mul3A_2, %dma_wait3A] : memref<10112x128xf32, #tpu.memory_space<vmem_shared>> -> memref<632x128xf32, #tpu.memory_space<vmem_shared>>
      tpu.wait_dma2 semaphore(%run_scoped3A : memref<!tpu.dma_semaphore, #tpu.memory_space<semaphore_mem>>) src(%arg5 : memref<632x128xf32, #tpu.memory_space<hbm>>) dst(%dma_wait3A_17 : memref<632x128xf32, #tpu.memory_space<vmem_shared>>)
      tpu.yield
    }) : () -> ()
    %barrier3A = arith.constant 0 : index
    tpu.barrier barrier_id(%barrier3A)
    %scan3A = arith.constant 0 : i32
    %scan3A_3 = arith.constant 10 : i32
    %scan3A_4 = arith.addi %scan3A, %scan3A_3 : i32
    %scan3A_5 = arith.constant 1 : i32
    scf.for %scan3A_16 = %scan3A to %scan3A_4 step %scan3A_5  : i32 {
      %mul3A_17 = arith.constant 1 : i32
      %mul3A_18 = arith.muli %scan3A_16, %mul3A_17 : i32
      %add3A_19 = arith.constant 0 : i32
      %add3A_20 = arith.addi %add3A_19, %mul3A_18 : i32
      "tpu.region"() ({
        %run_scoped3A = tpu.sem_alloc : memref<!tpu.dma_semaphore, #tpu.memory_space<semaphore_mem>>
        %dma_start3A = arith.constant 0 : i32
        %dma_start3A_26 = arith.constant 0 : i32
        %dma_start3A_27 = tpu.memref_slice %arg3[%add3A, %add3A_20, %dma_start3A, %dma_start3A_26] : memref<32x10x8x128xi32, #tpu.memory_space<hbm>> -> memref<1x1x8x128xi32, #tpu.memory_space<hbm>>
        %dma_start3A_28 = tpu.memref_squeeze %dma_start3A_27 : memref<1x1x8x128xi32, #tpu.memory_space<hbm>> -> memref<8x128xi32, #tpu.memory_space<hbm>>
        %dma_start3A_29 = arith.constant 0 : i32
        %dma_start3A_30 = arith.constant 0 : i32
        %dma_start3A_31 = tpu.memref_slice %arg3[%add3A, %add3A_20, %dma_start3A_29, %dma_start3A_30] : memref<32x10x8x128xi32, #tpu.memory_space<hbm>> -> memref<1x1x8x128xi32, #tpu.memory_space<hbm>>
        %dma_start3A_32 = tpu.memref_squeeze %dma_start3A_31 : memref<1x1x8x128xi32, #tpu.memory_space<hbm>> -> memref<8x128xi32, #tpu.memory_space<hbm>>
        tpu.enqueue_dma source(%dma_start3A_32 : memref<8x128xi32, #tpu.memory_space<hbm>>) target(%arg7 : memref<8x128xi32, #tpu.memory_space<vmem>>) target_semaphore(%run_scoped3A : memref<!tpu.dma_semaphore, #tpu.memory_space<semaphore_mem>>)
        %dma_wait3A = arith.constant 0 : i32
        %dma_wait3A_33 = arith.constant 0 : i32
        %dma_wait3A_34 = tpu.memref_slice %arg3[%add3A, %add3A_20, %dma_wait3A, %dma_wait3A_33] : memref<32x10x8x128xi32, #tpu.memory_space<hbm>> -> memref<1x1x8x128xi32, #tpu.memory_space<hbm>>
        %dma_wait3A_35 = tpu.memref_squeeze %dma_wait3A_34 : memref<1x1x8x128xi32, #tpu.memory_space<hbm>> -> memref<8x128xi32, #tpu.memory_space<hbm>>
        %dma_wait3A_36 = arith.constant 0 : i32
        %dma_wait3A_37 = arith.constant 0 : i32
        %dma_wait3A_38 = tpu.memref_slice %arg3[%add3A, %add3A_20, %dma_wait3A_36, %dma_wait3A_37] : memref<32x10x8x128xi32, #tpu.memory_space<hbm>> -> memref<1x1x8x128xi32, #tpu.memory_space<hbm>>
        %dma_wait3A_39 = tpu.memref_squeeze %dma_wait3A_38 : memref<1x1x8x128xi32, #tpu.memory_space<hbm>> -> memref<8x128xi32, #tpu.memory_space<hbm>>
        tpu.wait_dma2 semaphore(%run_scoped3A : memref<!tpu.dma_semaphore, #tpu.memory_space<semaphore_mem>>) src(%dma_wait3A_39 : memref<8x128xi32, #tpu.memory_space<hbm>>) dst(%arg7 : memref<8x128xi32, #tpu.memory_space<vmem>>)
        tpu.yield
      }) : () -> ()
      "tpu.region"() ({
        %run_scoped3A = tpu.sem_alloc : memref<!tpu.dma_semaphore, #tpu.memory_space<semaphore_mem>>
        %dma_start3A = arith.constant 0 : i32
        %dma_start3A_26 = arith.constant 0 : i32
        %dma_start3A_27 = tpu.memref_slice %arg4[%add3A, %add3A_20, %dma_start3A, %dma_start3A_26] : memref<32x10x8x128xi32, #tpu.memory_space<hbm>> -> memref<1x1x8x128xi32, #tpu.memory_space<hbm>>
        %dma_start3A_28 = tpu.memref_squeeze %dma_start3A_27 : memref<1x1x8x128xi32, #tpu.memory_space<hbm>> -> memref<8x128xi32, #tpu.memory_space<hbm>>
        %dma_start3A_29 = arith.constant 0 : i32
        %dma_start3A_30 = arith.constant 0 : i32
        %dma_start3A_31 = tpu.memref_slice %arg4[%add3A, %add3A_20, %dma_start3A_29, %dma_start3A_30] : memref<32x10x8x128xi32, #tpu.memory_space<hbm>> -> memref<1x1x8x128xi32, #tpu.memory_space<hbm>>
        %dma_start3A_32 = tpu.memref_squeeze %dma_start3A_31 : memref<1x1x8x128xi32, #tpu.memory_space<hbm>> -> memref<8x128xi32, #tpu.memory_space<hbm>>
        tpu.enqueue_dma source(%dma_start3A_32 : memref<8x128xi32, #tpu.memory_space<hbm>>) target(%arg8 : memref<8x128xi32, #tpu.memory_space<vmem>>) target_semaphore(%run_scoped3A : memref<!tpu.dma_semaphore, #tpu.memory_space<semaphore_mem>>)
        %dma_wait3A = arith.constant 0 : i32
        %dma_wait3A_33 = arith.constant 0 : i32
        %dma_wait3A_34 = tpu.memref_slice %arg4[%add3A, %add3A_20, %dma_wait3A, %dma_wait3A_33] : memref<32x10x8x128xi32, #tpu.memory_space<hbm>> -> memref<1x1x8x128xi32, #tpu.memory_space<hbm>>
        %dma_wait3A_35 = tpu.memref_squeeze %dma_wait3A_34 : memref<1x1x8x128xi32, #tpu.memory_space<hbm>> -> memref<8x128xi32, #tpu.memory_space<hbm>>
        %dma_wait3A_36 = arith.constant 0 : i32
        %dma_wait3A_37 = arith.constant 0 : i32
        %dma_wait3A_38 = tpu.memref_slice %arg4[%add3A, %add3A_20, %dma_wait3A_36, %dma_wait3A_37] : memref<32x10x8x128xi32, #tpu.memory_space<hbm>> -> memref<1x1x8x128xi32, #tpu.memory_space<hbm>>
        %dma_wait3A_39 = tpu.memref_squeeze %dma_wait3A_38 : memref<1x1x8x128xi32, #tpu.memory_space<hbm>> -> memref<8x128xi32, #tpu.memory_space<hbm>>
        tpu.wait_dma2 semaphore(%run_scoped3A : memref<!tpu.dma_semaphore, #tpu.memory_space<semaphore_mem>>) src(%dma_wait3A_39 : memref<8x128xi32, #tpu.memory_space<hbm>>) dst(%arg8 : memref<8x128xi32, #tpu.memory_space<vmem>>)
        tpu.yield
      }) : () -> ()
      %scan3A_21 = arith.constant 0 : i32
      %scan3A_22 = arith.constant 8 : i32
      %scan3A_23 = arith.addi %scan3A_21, %scan3A_22 : i32
      %scan3A_24 = arith.constant 1 : i32
      scf.for %scan3A_26 = %scan3A_21 to %scan3A_23 step %scan3A_24  : i32 {
        %mul3A_27 = arith.constant 1 : i32
        %mul3A_28 = arith.muli %scan3A_26, %mul3A_27 : i32
        %add3A_29 = arith.constant 0 : i32
        %add3A_30 = arith.addi %add3A_29, %mul3A_28 : i32
        "tpu.region"() ({
          %run_scoped3A = tpu.sem_alloc : memref<!tpu.dma_semaphore, #tpu.memory_space<semaphore_mem>>
          %dma_start3A = arith.constant 0 : i32
          %dma_start3A_31 = tpu.memref_slice %arg7[%add3A_30, %dma_start3A] : memref<8x128xi32, #tpu.memory_space<vmem>> -> memref<1x128xi32, #tpu.memory_space<vmem>>
          %dma_start3A_32 = tpu.memref_squeeze %dma_start3A_31 : memref<1x128xi32, #tpu.memory_space<vmem>> -> memref<128xi32, #tpu.memory_space<vmem>>
          %dma_start3A_33 = arith.constant 0 : i32
          %dma_start3A_34 = arith.constant 0 : i32
          %dma_start3A_35 = tpu.memref_slice %arg2[%dma_start3A_33, %dma_start3A_34] : memref<10112x128xf32, #tpu.memory_space<hbm>> -> memref<10112x128xf32, #tpu.memory_space<hbm>>
          tpu.enqueue_indirect_dma source(%dma_start3A_35 : memref<10112x128xf32, #tpu.memory_space<hbm>>) target(%arg9 : memref<128x128xf32, #tpu.memory_space<vmem>>) offsets(%dma_start3A_32 : memref<128xi32, #tpu.memory_space<vmem>>) semaphore(%run_scoped3A : memref<!tpu.dma_semaphore, #tpu.memory_space<semaphore_mem>>)
          %dma_wait3A = arith.constant 0 : i32
          %dma_wait3A_36 = tpu.memref_slice %arg7[%add3A_30, %dma_wait3A] : memref<8x128xi32, #tpu.memory_space<vmem>> -> memref<1x128xi32, #tpu.memory_space<vmem>>
          %dma_wait3A_37 = tpu.memref_squeeze %dma_wait3A_36 : memref<1x128xi32, #tpu.memory_space<vmem>> -> memref<128xi32, #tpu.memory_space<vmem>>
          %dma_wait3A_38 = arith.constant 0 : i32
          %dma_wait3A_39 = arith.constant 0 : i32
          %dma_wait3A_40 = tpu.memref_slice %arg2[%dma_wait3A_38, %dma_wait3A_39] : memref<10112x128xf32, #tpu.memory_space<hbm>> -> memref<10112x128xf32, #tpu.memory_space<hbm>>
          tpu.wait_indirect_dma semaphore(%run_scoped3A : memref<!tpu.dma_semaphore, #tpu.memory_space<semaphore_mem>>) src(%dma_wait3A_40 : memref<10112x128xf32, #tpu.memory_space<hbm>>) dst(%arg9 : memref<128x128xf32, #tpu.memory_space<vmem>>)
          tpu.yield
        }) : () -> ()
        "tpu.region"() ({
          %run_scoped3A = tpu.sem_alloc : memref<!tpu.dma_semaphore, #tpu.memory_space<semaphore_mem>>
          %dma_start3A = arith.constant 0 : i32
          %dma_start3A_31 = tpu.memref_slice %arg8[%add3A_30, %dma_start3A] : memref<8x128xi32, #tpu.memory_space<vmem>> -> memref<1x128xi32, #tpu.memory_space<vmem>>
          %dma_start3A_32 = tpu.memref_squeeze %dma_start3A_31 : memref<1x128xi32, #tpu.memory_space<vmem>> -> memref<128xi32, #tpu.memory_space<vmem>>
          %dma_start3A_33 = arith.constant 0 : i32
          %dma_start3A_34 = arith.constant 0 : i32
          %dma_start3A_35 = tpu.memref_slice %arg10[%dma_start3A_33, %dma_start3A_34] : memref<10112x128xf32, #tpu.memory_space<vmem_shared>> -> memref<10112x128xf32, #tpu.memory_space<vmem_shared>>
          tpu.enqueue_indirect_dma source(%arg9 : memref<128x128xf32, #tpu.memory_space<vmem>>) target(%dma_start3A_35 : memref<10112x128xf32, #tpu.memory_space<vmem_shared>>) offsets(%dma_start3A_32 : memref<128xi32, #tpu.memory_space<vmem>>) semaphore(%run_scoped3A : memref<!tpu.dma_semaphore, #tpu.memory_space<semaphore_mem>>) {add = true}
          %dma_wait3A = arith.constant 0 : i32
          %dma_wait3A_36 = tpu.memref_slice %arg8[%add3A_30, %dma_wait3A] : memref<8x128xi32, #tpu.memory_space<vmem>> -> memref<1x128xi32, #tpu.memory_space<vmem>>
          %dma_wait3A_37 = tpu.memref_squeeze %dma_wait3A_36 : memref<1x128xi32, #tpu.memory_space<vmem>> -> memref<128xi32, #tpu.memory_space<vmem>>
          %dma_wait3A_38 = arith.constant 0 : i32
          %dma_wait3A_39 = arith.constant 0 : i32
          %dma_wait3A_40 = tpu.memref_slice %arg10[%dma_wait3A_38, %dma_wait3A_39] : memref<10112x128xf32, #tpu.memory_space<vmem_shared>> -> memref<10112x128xf32, #tpu.memory_space<vmem_shared>>
          tpu.wait_indirect_dma semaphore(%run_scoped3A : memref<!tpu.dma_semaphore, #tpu.memory_space<semaphore_mem>>) src(%arg9 : memref<128x128xf32, #tpu.memory_space<vmem>>) dst(%dma_wait3A_40 : memref<10112x128xf32, #tpu.memory_space<vmem_shared>>)
          tpu.yield
        }) : () -> ()
      }
      %scan3A_25 = arith.constant 8 : i32
    }
    %scan3A_6 = arith.constant 10 : i32
    %barrier3A_7 = arith.constant 0 : index
    tpu.barrier barrier_id(%barrier3A_7)
    %barrier3A_8 = arith.constant 0 : index
    tpu.barrier barrier_id(%barrier3A_8)
    %eq3A = arith.constant 15 : i32
    %eq3A_9 = arith.cmpi eq, %arg1, %eq3A : i32
    %convert_element_type3A = arith.extui %eq3A_9 : i1 to i32
    %cond3A = arith.constant 0 : i32
    %cond3A_10 = arith.cmpi ne, %convert_element_type3A, %cond3A : i32
    scf.if %cond3A_10 {
      "tpu.region"() ({
        %run_scoped3A = tpu.sem_alloc : memref<!tpu.dma_semaphore, #tpu.memory_space<semaphore_mem>>
        %dma_start3A = arith.constant 10000 : i32
        %dma_start3A_16 = arith.constant 0 : i32
        %dma_start3A_17 = tpu.memref_slice %arg10[%dma_start3A, %dma_start3A_16] : memref<10112x128xf32, #tpu.memory_space<vmem_shared>> -> memref<8x128xf32, #tpu.memory_space<vmem_shared>>
        %dma_start3A_18 = arith.constant 0 : i32
        %dma_start3A_19 = arith.constant 0 : i32
        %dma_start3A_20 = tpu.memref_slice %arg5[%dma_start3A_18, %dma_start3A_19] : memref<632x128xf32, #tpu.memory_space<hbm>> -> memref<8x128xf32, #tpu.memory_space<hbm>>
        tpu.enqueue_dma source(%dma_start3A_20 : memref<8x128xf32, #tpu.memory_space<hbm>>) target(%dma_start3A_17 : memref<8x128xf32, #tpu.memory_space<vmem_shared>>) target_semaphore(%run_scoped3A : memref<!tpu.dma_semaphore, #tpu.memory_space<semaphore_mem>>)
        %dma_wait3A = arith.constant 10000 : i32
        %dma_wait3A_21 = arith.constant 0 : i32
        %dma_wait3A_22 = tpu.memref_slice %arg10[%dma_wait3A, %dma_wait3A_21] : memref<10112x128xf32, #tpu.memory_space<vmem_shared>> -> memref<8x128xf32, #tpu.memory_space<vmem_shared>>
        %dma_wait3A_23 = arith.constant 0 : i32
        %dma_wait3A_24 = arith.constant 0 : i32
        %dma_wait3A_25 = tpu.memref_slice %arg5[%dma_wait3A_23, %dma_wait3A_24] : memref<632x128xf32, #tpu.memory_space<hbm>> -> memref<8x128xf32, #tpu.memory_space<hbm>>
        tpu.wait_dma2 semaphore(%run_scoped3A : memref<!tpu.dma_semaphore, #tpu.memory_space<semaphore_mem>>) src(%dma_wait3A_25 : memref<8x128xf32, #tpu.memory_space<hbm>>) dst(%dma_wait3A_22 : memref<8x128xf32, #tpu.memory_space<vmem_shared>>)
        tpu.yield
      }) : () -> ()
    } else {
    }
    %barrier3A_11 = arith.constant 0 : index
    tpu.barrier barrier_id(%barrier3A_11)
    %mul3A_12 = arith.constant 632 : i32
    %mul3A_13 = arith.muli %arg1, %mul3A_12 : i32
    %mul3A_14 = arith.constant 632 : i32
    %mul3A_15 = arith.muli %arg1, %mul3A_14 : i32
    "tpu.region"() ({
      %run_scoped3A = tpu.sem_alloc : memref<!tpu.dma_semaphore, #tpu.memory_space<semaphore_mem>>
      %dma_start3A = arith.constant 0 : i32
      %dma_start3A_16 = tpu.memref_slice %arg6[%arg0, %mul3A_15, %dma_start3A] : memref<2x10112x128xf32, #tpu.memory_space<hbm>> -> memref<1x632x128xf32, #tpu.memory_space<hbm>>
      %dma_start3A_17 = tpu.memref_squeeze %dma_start3A_16 : memref<1x632x128xf32, #tpu.memory_space<hbm>> -> memref<632x128xf32, #tpu.memory_space<hbm>>
      %dma_start3A_18 = arith.constant 0 : i32
      %dma_start3A_19 = tpu.memref_slice %arg10[%mul3A_13, %dma_start3A_18] : memref<10112x128xf32, #tpu.memory_space<vmem_shared>> -> memref<632x128xf32, #tpu.memory_space<vmem_shared>>
      tpu.enqueue_dma source(%dma_start3A_19 : memref<632x128xf32, #tpu.memory_space<vmem_shared>>) target(%dma_start3A_17 : memref<632x128xf32, #tpu.memory_space<hbm>>) target_semaphore(%run_scoped3A : memref<!tpu.dma_semaphore, #tpu.memory_space<semaphore_mem>>)
      %dma_wait3A = arith.constant 0 : i32
      %dma_wait3A_20 = tpu.memref_slice %arg6[%arg0, %mul3A_15, %dma_wait3A] : memref<2x10112x128xf32, #tpu.memory_space<hbm>> -> memref<1x632x128xf32, #tpu.memory_space<hbm>>
      %dma_wait3A_21 = tpu.memref_squeeze %dma_wait3A_20 : memref<1x632x128xf32, #tpu.memory_space<hbm>> -> memref<632x128xf32, #tpu.memory_space<hbm>>
      %dma_wait3A_22 = arith.constant 0 : i32
      %dma_wait3A_23 = tpu.memref_slice %arg10[%mul3A_13, %dma_wait3A_22] : memref<10112x128xf32, #tpu.memory_space<vmem_shared>> -> memref<632x128xf32, #tpu.memory_space<vmem_shared>>
      tpu.wait_dma2 semaphore(%run_scoped3A : memref<!tpu.dma_semaphore, #tpu.memory_space<semaphore_mem>>) src(%dma_wait3A_23 : memref<632x128xf32, #tpu.memory_space<vmem_shared>>) dst(%dma_wait3A_21 : memref<632x128xf32, #tpu.memory_space<hbm>>)
      tpu.yield
    }) : () -> ()
    return
  }
}

#map = affine_map<(d0, d1) -> (0, 0)>
#map1 = affine_map<(d0, d1) -> (0, 0, 0, 0)>
#map2 = affine_map<(d0, d1) -> (0, 0, 0)>
module attributes {stable_mosaic.version = 14 : i64} {
  func.func @_prop_kernel(%arg0: i32, %arg1: i32, %arg2: memref<10112x128xf32, #tpu.memory_space<hbm>>, %arg3: memref<32x10x8x128xi32, #tpu.memory_space<hbm>>, %arg4: memref<32x10x8x128xi32, #tpu.memory_space<hbm>>, %arg5: memref<632x128xf32, #tpu.memory_space<hbm>>, %arg6: memref<2x10112x128xf32, #tpu.memory_space<hbm>>, %arg7: memref<8x128xi32, #tpu.memory_space<vmem>>, %arg8: memref<8x128xi32, #tpu.memory_space<vmem>>, %arg9: memref<128x128xf32, #tpu.memory_space<vmem>>, %arg10: memref<10112x128xf32, #tpu.memory_space<vmem_shared>>) attributes {dimension_semantics = [#tpu.dimension_semantics<core_parallel>, #tpu.dimension_semantics<subcore_parallel>], iteration_bounds = array<i64: 2, 16>, scalar_prefetch = 0 : i64, scratch_operands = 4 : i64, tpu.core_type = #tpu.core_type<sc_vector_subcore>, window_params = [{transform_indices = #map}, {transform_indices = #map1}, {transform_indices = #map1}, {transform_indices = #map}, {transform_indices = #map2}]} {
    %mul3A = arith.constant 16 : i32
    %mul3A_0 = arith.muli %arg0, %mul3A : i32
    %add3A = arith.addi %mul3A_0, %arg1 : i32
    %mul3A_1 = arith.constant 632 : i32
    %mul3A_2 = arith.muli %arg1, %mul3A_1 : i32
    "tpu.region"() ({
      %run_scoped3A = tpu.sem_alloc : memref<!tpu.dma_semaphore, #tpu.memory_space<semaphore_mem>>
      %dma_start3A = arith.constant 0 : i32
      %dma_start3A_16 = tpu.memref_slice %arg10[%mul3A_2, %dma_start3A] : memref<10112x128xf32, #tpu.memory_space<vmem_shared>> -> memref<632x128xf32, #tpu.memory_space<vmem_shared>>
      tpu.enqueue_dma source(%arg5 : memref<632x128xf32, #tpu.memory_space<hbm>>) target(%dma_start3A_16 : memref<632x128xf32, #tpu.memory_space<vmem_shared>>) target_semaphore(%run_scoped3A : memref<!tpu.dma_semaphore, #tpu.memory_space<semaphore_mem>>)
      %dma_wait3A = arith.constant 0 : i32
      %dma_wait3A_17 = tpu.memref_slice %arg10[%mul3A_2, %dma_wait3A] : memref<10112x128xf32, #tpu.memory_space<vmem_shared>> -> memref<632x128xf32, #tpu.memory_space<vmem_shared>>
      tpu.wait_dma2 semaphore(%run_scoped3A : memref<!tpu.dma_semaphore, #tpu.memory_space<semaphore_mem>>) src(%arg5 : memref<632x128xf32, #tpu.memory_space<hbm>>) dst(%dma_wait3A_17 : memref<632x128xf32, #tpu.memory_space<vmem_shared>>)
      tpu.yield
    }) : () -> ()
    %barrier3A = arith.constant 0 : index
    tpu.barrier barrier_id(%barrier3A)
    %scan3A = arith.constant 0 : i32
    %scan3A_3 = arith.constant 10 : i32
    %scan3A_4 = arith.addi %scan3A, %scan3A_3 : i32
    %scan3A_5 = arith.constant 1 : i32
    scf.for %scan3A_16 = %scan3A to %scan3A_4 step %scan3A_5  : i32 {
      %mul3A_17 = arith.constant 1 : i32
      %mul3A_18 = arith.muli %scan3A_16, %mul3A_17 : i32
      %add3A_19 = arith.constant 0 : i32
      %add3A_20 = arith.addi %add3A_19, %mul3A_18 : i32
      "tpu.region"() ({
        %run_scoped3A = tpu.sem_alloc : memref<!tpu.dma_semaphore, #tpu.memory_space<semaphore_mem>>
        %dma_start3A = arith.constant 0 : i32
        %dma_start3A_26 = arith.constant 0 : i32
        %dma_start3A_27 = tpu.memref_slice %arg3[%add3A, %add3A_20, %dma_start3A, %dma_start3A_26] : memref<32x10x8x128xi32, #tpu.memory_space<hbm>> -> memref<1x1x8x128xi32, #tpu.memory_space<hbm>>
        %dma_start3A_28 = tpu.memref_squeeze %dma_start3A_27 : memref<1x1x8x128xi32, #tpu.memory_space<hbm>> -> memref<8x128xi32, #tpu.memory_space<hbm>>
        %dma_start3A_29 = arith.constant 0 : i32
        %dma_start3A_30 = arith.constant 0 : i32
        %dma_start3A_31 = tpu.memref_slice %arg3[%add3A, %add3A_20, %dma_start3A_29, %dma_start3A_30] : memref<32x10x8x128xi32, #tpu.memory_space<hbm>> -> memref<1x1x8x128xi32, #tpu.memory_space<hbm>>
        %dma_start3A_32 = tpu.memref_squeeze %dma_start3A_31 : memref<1x1x8x128xi32, #tpu.memory_space<hbm>> -> memref<8x128xi32, #tpu.memory_space<hbm>>
        tpu.enqueue_dma source(%dma_start3A_32 : memref<8x128xi32, #tpu.memory_space<hbm>>) target(%arg7 : memref<8x128xi32, #tpu.memory_space<vmem>>) target_semaphore(%run_scoped3A : memref<!tpu.dma_semaphore, #tpu.memory_space<semaphore_mem>>)
        %dma_wait3A = arith.constant 0 : i32
        %dma_wait3A_33 = arith.constant 0 : i32
        %dma_wait3A_34 = tpu.memref_slice %arg3[%add3A, %add3A_20, %dma_wait3A, %dma_wait3A_33] : memref<32x10x8x128xi32, #tpu.memory_space<hbm>> -> memref<1x1x8x128xi32, #tpu.memory_space<hbm>>
        %dma_wait3A_35 = tpu.memref_squeeze %dma_wait3A_34 : memref<1x1x8x128xi32, #tpu.memory_space<hbm>> -> memref<8x128xi32, #tpu.memory_space<hbm>>
        %dma_wait3A_36 = arith.constant 0 : i32
        %dma_wait3A_37 = arith.constant 0 : i32
        %dma_wait3A_38 = tpu.memref_slice %arg3[%add3A, %add3A_20, %dma_wait3A_36, %dma_wait3A_37] : memref<32x10x8x128xi32, #tpu.memory_space<hbm>> -> memref<1x1x8x128xi32, #tpu.memory_space<hbm>>
        %dma_wait3A_39 = tpu.memref_squeeze %dma_wait3A_38 : memref<1x1x8x128xi32, #tpu.memory_space<hbm>> -> memref<8x128xi32, #tpu.memory_space<hbm>>
        tpu.wait_dma2 semaphore(%run_scoped3A : memref<!tpu.dma_semaphore, #tpu.memory_space<semaphore_mem>>) src(%dma_wait3A_39 : memref<8x128xi32, #tpu.memory_space<hbm>>) dst(%arg7 : memref<8x128xi32, #tpu.memory_space<vmem>>)
        tpu.yield
      }) : () -> ()
      "tpu.region"() ({
        %run_scoped3A = tpu.sem_alloc : memref<!tpu.dma_semaphore, #tpu.memory_space<semaphore_mem>>
        %dma_start3A = arith.constant 0 : i32
        %dma_start3A_26 = arith.constant 0 : i32
        %dma_start3A_27 = tpu.memref_slice %arg4[%add3A, %add3A_20, %dma_start3A, %dma_start3A_26] : memref<32x10x8x128xi32, #tpu.memory_space<hbm>> -> memref<1x1x8x128xi32, #tpu.memory_space<hbm>>
        %dma_start3A_28 = tpu.memref_squeeze %dma_start3A_27 : memref<1x1x8x128xi32, #tpu.memory_space<hbm>> -> memref<8x128xi32, #tpu.memory_space<hbm>>
        %dma_start3A_29 = arith.constant 0 : i32
        %dma_start3A_30 = arith.constant 0 : i32
        %dma_start3A_31 = tpu.memref_slice %arg4[%add3A, %add3A_20, %dma_start3A_29, %dma_start3A_30] : memref<32x10x8x128xi32, #tpu.memory_space<hbm>> -> memref<1x1x8x128xi32, #tpu.memory_space<hbm>>
        %dma_start3A_32 = tpu.memref_squeeze %dma_start3A_31 : memref<1x1x8x128xi32, #tpu.memory_space<hbm>> -> memref<8x128xi32, #tpu.memory_space<hbm>>
        tpu.enqueue_dma source(%dma_start3A_32 : memref<8x128xi32, #tpu.memory_space<hbm>>) target(%arg8 : memref<8x128xi32, #tpu.memory_space<vmem>>) target_semaphore(%run_scoped3A : memref<!tpu.dma_semaphore, #tpu.memory_space<semaphore_mem>>)
        %dma_wait3A = arith.constant 0 : i32
        %dma_wait3A_33 = arith.constant 0 : i32
        %dma_wait3A_34 = tpu.memref_slice %arg4[%add3A, %add3A_20, %dma_wait3A, %dma_wait3A_33] : memref<32x10x8x128xi32, #tpu.memory_space<hbm>> -> memref<1x1x8x128xi32, #tpu.memory_space<hbm>>
        %dma_wait3A_35 = tpu.memref_squeeze %dma_wait3A_34 : memref<1x1x8x128xi32, #tpu.memory_space<hbm>> -> memref<8x128xi32, #tpu.memory_space<hbm>>
        %dma_wait3A_36 = arith.constant 0 : i32
        %dma_wait3A_37 = arith.constant 0 : i32
        %dma_wait3A_38 = tpu.memref_slice %arg4[%add3A, %add3A_20, %dma_wait3A_36, %dma_wait3A_37] : memref<32x10x8x128xi32, #tpu.memory_space<hbm>> -> memref<1x1x8x128xi32, #tpu.memory_space<hbm>>
        %dma_wait3A_39 = tpu.memref_squeeze %dma_wait3A_38 : memref<1x1x8x128xi32, #tpu.memory_space<hbm>> -> memref<8x128xi32, #tpu.memory_space<hbm>>
        tpu.wait_dma2 semaphore(%run_scoped3A : memref<!tpu.dma_semaphore, #tpu.memory_space<semaphore_mem>>) src(%dma_wait3A_39 : memref<8x128xi32, #tpu.memory_space<hbm>>) dst(%arg8 : memref<8x128xi32, #tpu.memory_space<vmem>>)
        tpu.yield
      }) : () -> ()
      %scan3A_21 = arith.constant 0 : i32
      %scan3A_22 = arith.constant 8 : i32
      %scan3A_23 = arith.addi %scan3A_21, %scan3A_22 : i32
      %scan3A_24 = arith.constant 1 : i32
      scf.for %scan3A_26 = %scan3A_21 to %scan3A_23 step %scan3A_24  : i32 {
        %mul3A_27 = arith.constant 1 : i32
        %mul3A_28 = arith.muli %scan3A_26, %mul3A_27 : i32
        %add3A_29 = arith.constant 0 : i32
        %add3A_30 = arith.addi %add3A_29, %mul3A_28 : i32
        "tpu.region"() ({
          %run_scoped3A = tpu.sem_alloc : memref<!tpu.dma_semaphore, #tpu.memory_space<semaphore_mem>>
          %dma_start3A = arith.constant 0 : i32
          %dma_start3A_31 = tpu.memref_slice %arg7[%add3A_30, %dma_start3A] : memref<8x128xi32, #tpu.memory_space<vmem>> -> memref<1x128xi32, #tpu.memory_space<vmem>>
          %dma_start3A_32 = tpu.memref_squeeze %dma_start3A_31 : memref<1x128xi32, #tpu.memory_space<vmem>> -> memref<128xi32, #tpu.memory_space<vmem>>
          %dma_start3A_33 = arith.constant 0 : i32
          %dma_start3A_34 = arith.constant 0 : i32
          %dma_start3A_35 = tpu.memref_slice %arg2[%dma_start3A_33, %dma_start3A_34] : memref<10112x128xf32, #tpu.memory_space<hbm>> -> memref<10112x128xf32, #tpu.memory_space<hbm>>
          tpu.enqueue_indirect_dma source(%dma_start3A_35 : memref<10112x128xf32, #tpu.memory_space<hbm>>) target(%arg9 : memref<128x128xf32, #tpu.memory_space<vmem>>) offsets(%dma_start3A_32 : memref<128xi32, #tpu.memory_space<vmem>>) semaphore(%run_scoped3A : memref<!tpu.dma_semaphore, #tpu.memory_space<semaphore_mem>>)
          %dma_wait3A = arith.constant 0 : i32
          %dma_wait3A_36 = tpu.memref_slice %arg7[%add3A_30, %dma_wait3A] : memref<8x128xi32, #tpu.memory_space<vmem>> -> memref<1x128xi32, #tpu.memory_space<vmem>>
          %dma_wait3A_37 = tpu.memref_squeeze %dma_wait3A_36 : memref<1x128xi32, #tpu.memory_space<vmem>> -> memref<128xi32, #tpu.memory_space<vmem>>
          %dma_wait3A_38 = arith.constant 0 : i32
          %dma_wait3A_39 = arith.constant 0 : i32
          %dma_wait3A_40 = tpu.memref_slice %arg2[%dma_wait3A_38, %dma_wait3A_39] : memref<10112x128xf32, #tpu.memory_space<hbm>> -> memref<10112x128xf32, #tpu.memory_space<hbm>>
          tpu.wait_indirect_dma semaphore(%run_scoped3A : memref<!tpu.dma_semaphore, #tpu.memory_space<semaphore_mem>>) src(%dma_wait3A_40 : memref<10112x128xf32, #tpu.memory_space<hbm>>) dst(%arg9 : memref<128x128xf32, #tpu.memory_space<vmem>>)
          tpu.yield
        }) : () -> ()
        "tpu.region"() ({
          %run_scoped3A = tpu.sem_alloc : memref<!tpu.dma_semaphore, #tpu.memory_space<semaphore_mem>>
          %dma_start3A = arith.constant 0 : i32
          %dma_start3A_31 = tpu.memref_slice %arg8[%add3A_30, %dma_start3A] : memref<8x128xi32, #tpu.memory_space<vmem>> -> memref<1x128xi32, #tpu.memory_space<vmem>>
          %dma_start3A_32 = tpu.memref_squeeze %dma_start3A_31 : memref<1x128xi32, #tpu.memory_space<vmem>> -> memref<128xi32, #tpu.memory_space<vmem>>
          %dma_start3A_33 = arith.constant 0 : i32
          %dma_start3A_34 = arith.constant 0 : i32
          %dma_start3A_35 = tpu.memref_slice %arg10[%dma_start3A_33, %dma_start3A_34] : memref<10112x128xf32, #tpu.memory_space<vmem_shared>> -> memref<10112x128xf32, #tpu.memory_space<vmem_shared>>
          tpu.enqueue_indirect_dma source(%arg9 : memref<128x128xf32, #tpu.memory_space<vmem>>) target(%dma_start3A_35 : memref<10112x128xf32, #tpu.memory_space<vmem_shared>>) offsets(%dma_start3A_32 : memref<128xi32, #tpu.memory_space<vmem>>) semaphore(%run_scoped3A : memref<!tpu.dma_semaphore, #tpu.memory_space<semaphore_mem>>) {add = true}
          %dma_wait3A = arith.constant 0 : i32
          %dma_wait3A_36 = tpu.memref_slice %arg8[%add3A_30, %dma_wait3A] : memref<8x128xi32, #tpu.memory_space<vmem>> -> memref<1x128xi32, #tpu.memory_space<vmem>>
          %dma_wait3A_37 = tpu.memref_squeeze %dma_wait3A_36 : memref<1x128xi32, #tpu.memory_space<vmem>> -> memref<128xi32, #tpu.memory_space<vmem>>
          %dma_wait3A_38 = arith.constant 0 : i32
          %dma_wait3A_39 = arith.constant 0 : i32
          %dma_wait3A_40 = tpu.memref_slice %arg10[%dma_wait3A_38, %dma_wait3A_39] : memref<10112x128xf32, #tpu.memory_space<vmem_shared>> -> memref<10112x128xf32, #tpu.memory_space<vmem_shared>>
          tpu.wait_indirect_dma semaphore(%run_scoped3A : memref<!tpu.dma_semaphore, #tpu.memory_space<semaphore_mem>>) src(%arg9 : memref<128x128xf32, #tpu.memory_space<vmem>>) dst(%dma_wait3A_40 : memref<10112x128xf32, #tpu.memory_space<vmem_shared>>)
          tpu.yield
        }) : () -> ()
      }
      %scan3A_25 = arith.constant 8 : i32
    }
    %scan3A_6 = arith.constant 10 : i32
    %barrier3A_7 = arith.constant 0 : index
    tpu.barrier barrier_id(%barrier3A_7)
    %barrier3A_8 = arith.constant 0 : index
    tpu.barrier barrier_id(%barrier3A_8)
    %eq3A = arith.constant 15 : i32
    %eq3A_9 = arith.cmpi eq, %arg1, %eq3A : i32
    %convert_element_type3A = arith.extui %eq3A_9 : i1 to i32
    %cond3A = arith.constant 0 : i32
    %cond3A_10 = arith.cmpi ne, %convert_element_type3A, %cond3A : i32
    scf.if %cond3A_10 {
      "tpu.region"() ({
        %run_scoped3A = tpu.sem_alloc : memref<!tpu.dma_semaphore, #tpu.memory_space<semaphore_mem>>
        %dma_start3A = arith.constant 10000 : i32
        %dma_start3A_16 = arith.constant 0 : i32
        %dma_start3A_17 = tpu.memref_slice %arg10[%dma_start3A, %dma_start3A_16] : memref<10112x128xf32, #tpu.memory_space<vmem_shared>> -> memref<8x128xf32, #tpu.memory_space<vmem_shared>>
        %dma_start3A_18 = arith.constant 0 : i32
        %dma_start3A_19 = arith.constant 0 : i32
        %dma_start3A_20 = tpu.memref_slice %arg5[%dma_start3A_18, %dma_start3A_19] : memref<632x128xf32, #tpu.memory_space<hbm>> -> memref<8x128xf32, #tpu.memory_space<hbm>>
        tpu.enqueue_dma source(%dma_start3A_20 : memref<8x128xf32, #tpu.memory_space<hbm>>) target(%dma_start3A_17 : memref<8x128xf32, #tpu.memory_space<vmem_shared>>) target_semaphore(%run_scoped3A : memref<!tpu.dma_semaphore, #tpu.memory_space<semaphore_mem>>)
        %dma_wait3A = arith.constant 10000 : i32
        %dma_wait3A_21 = arith.constant 0 : i32
        %dma_wait3A_22 = tpu.memref_slice %arg10[%dma_wait3A, %dma_wait3A_21] : memref<10112x128xf32, #tpu.memory_space<vmem_shared>> -> memref<8x128xf32, #tpu.memory_space<vmem_shared>>
        %dma_wait3A_23 = arith.constant 0 : i32
        %dma_wait3A_24 = arith.constant 0 : i32
        %dma_wait3A_25 = tpu.memref_slice %arg5[%dma_wait3A_23, %dma_wait3A_24] : memref<632x128xf32, #tpu.memory_space<hbm>> -> memref<8x128xf32, #tpu.memory_space<hbm>>
        tpu.wait_dma2 semaphore(%run_scoped3A : memref<!tpu.dma_semaphore, #tpu.memory_space<semaphore_mem>>) src(%dma_wait3A_25 : memref<8x128xf32, #tpu.memory_space<hbm>>) dst(%dma_wait3A_22 : memref<8x128xf32, #tpu.memory_space<vmem_shared>>)
        tpu.yield
      }) : () -> ()
    } else {
    }
    %barrier3A_11 = arith.constant 0 : index
    tpu.barrier barrier_id(%barrier3A_11)
    %mul3A_12 = arith.constant 632 : i32
    %mul3A_13 = arith.muli %arg1, %mul3A_12 : i32
    %mul3A_14 = arith.constant 632 : i32
    %mul3A_15 = arith.muli %arg1, %mul3A_14 : i32
    "tpu.region"() ({
      %run_scoped3A = tpu.sem_alloc : memref<!tpu.dma_semaphore, #tpu.memory_space<semaphore_mem>>
      %dma_start3A = arith.constant 0 : i32
      %dma_start3A_16 = tpu.memref_slice %arg6[%arg0, %mul3A_15, %dma_start3A] : memref<2x10112x128xf32, #tpu.memory_space<hbm>> -> memref<1x632x128xf32, #tpu.memory_space<hbm>>
      %dma_start3A_17 = tpu.memref_squeeze %dma_start3A_16 : memref<1x632x128xf32, #tpu.memory_space<hbm>> -> memref<632x128xf32, #tpu.memory_space<hbm>>
      %dma_start3A_18 = arith.constant 0 : i32
      %dma_start3A_19 = tpu.memref_slice %arg10[%mul3A_13, %dma_start3A_18] : memref<10112x128xf32, #tpu.memory_space<vmem_shared>> -> memref<632x128xf32, #tpu.memory_space<vmem_shared>>
      tpu.enqueue_dma source(%dma_start3A_19 : memref<632x128xf32, #tpu.memory_space<vmem_shared>>) target(%dma_start3A_17 : memref<632x128xf32, #tpu.memory_space<hbm>>) target_semaphore(%run_scoped3A : memref<!tpu.dma_semaphore, #tpu.memory_space<semaphore_mem>>)
      %dma_wait3A = arith.constant 0 : i32
      %dma_wait3A_20 = tpu.memref_slice %arg6[%arg0, %mul3A_15, %dma_wait3A] : memref<2x10112x128xf32, #tpu.memory_space<hbm>> -> memref<1x632x128xf32, #tpu.memory_space<hbm>>
      %dma_wait3A_21 = tpu.memref_squeeze %dma_wait3A_20 : memref<1x632x128xf32, #tpu.memory_space<hbm>> -> memref<632x128xf32, #tpu.memory_space<hbm>>
      %dma_wait3A_22 = arith.constant 0 : i32
      %dma_wait3A_23 = tpu.memref_slice %arg10[%mul3A_13, %dma_wait3A_22] : memref<10112x128xf32, #tpu.memory_space<vmem_shared>> -> memref<632x128xf32, #tpu.memory_space<vmem_shared>>
      tpu.wait_dma2 semaphore(%run_scoped3A : memref<!tpu.dma_semaphore, #tpu.memory_space<semaphore_mem>>) src(%dma_wait3A_23 : memref<632x128xf32, #tpu.memory_space<vmem_shared>>) dst(%dma_wait3A_21 : memref<632x128xf32, #tpu.memory_space<hbm>>)
      tpu.yield
    }) : () -> ()
    return
  }
}

module attributes {stable_mosaic.version = 14 : i64} {
  func.func @_scale_body(%arg0: i32, %arg1: memref<2528x1xf32, #tpu.memory_space<vmem>>, %arg2: memref<2528x128xf32, #tpu.memory_space<vmem>>, %arg3: memref<2528x1xf32, #tpu.memory_space<vmem>>, %arg4: memref<2528x128xf32, #tpu.memory_space<vmem>>) attributes {dimension_semantics = [#tpu.dimension_semantics<arbitrary>], iteration_bounds = array<i64: 4>, scalar_prefetch = 0 : i64, scratch_operands = 0 : i64, tpu.core_type = #tpu.core_type<tc>, window_params = [{transform_indices = @transform_0, window_bounds = array<i64: 2528, 1>}, {transform_indices = @transform_1, window_bounds = array<i64: 2528, 128>}, {transform_indices = @transform_2, window_bounds = array<i64: 2528, 1>}, {transform_indices = @transform_3, window_bounds = array<i64: 2528, 128>}]} {
    %get3A = arith.constant 0 : index
    %get3A_0 = arith.constant 0 : index
    %get3A_1 = vector.load %arg1[%get3A, %get3A_0] : memref<2528x1xf32, #tpu.memory_space<vmem>>, vector<2528x1xf32>
    %add3A = arith.constant 1.000000e+00 : f32
    %add3A_2 = vector.broadcast %add3A : f32 to vector<2528x1xf32>
    %add3A_3 = arith.addf %get3A_1, %add3A_2 : vector<2528x1xf32>
    %iota3A = tpu.iota {dimensions = array<i32: 0>} : vector<2528x1xi32>
    %mul3A = arith.constant 2528 : i32
    %mul3A_4 = arith.muli %arg0, %mul3A : i32
    %add3A_5 = vector.broadcast %mul3A_4 : i32 to vector<2528x1xi32>
    %add3A_6 = arith.addi %iota3A, %add3A_5 : vector<2528x1xi32>
    %lt3A = arith.constant 10000 : i32
    %lt3A_7 = vector.broadcast %lt3A : i32 to vector<2528x1xi32>
    %lt3A_8 = arith.cmpi slt, %add3A_6, %lt3A_7 : vector<2528x1xi32>
    %rsqrt3A = math.rsqrt %add3A_3 : vector<2528x1xf32>
    %jit3A = arith.constant 0.000000e+00 : f32
    %broadcast_in_dim3A = vector.broadcast %jit3A : f32 to vector<2528x1xf32>
    %select_n3A = arith.select %lt3A_8, %rsqrt3A, %broadcast_in_dim3A : vector<2528x1xi1>, vector<2528x1xf32>
    %swap3A = arith.constant 0 : index
    %swap3A_9 = arith.constant 0 : index
    %swap3A_10 = vector.load %arg3[%swap3A, %swap3A_9] : memref<2528x1xf32, #tpu.memory_space<vmem>>, vector<2528x1xf32>
    tpu.vector_store %arg3[%swap3A, %swap3A_9], %select_n3A {strides = array<i32>} : memref<2528x1xf32, #tpu.memory_space<vmem>>, vector<2528x1xf32>,
    %get3A_11 = arith.constant 0 : index
    %get3A_12 = arith.constant 0 : index
    %get3A_13 = vector.load %arg2[%get3A_11, %get3A_12] : memref<2528x128xf32, #tpu.memory_space<vmem>>, vector<2528x128xf32>
    %mul3A_14 = vector.broadcast %select_n3A : vector<2528x1xf32> to vector<2528x128xf32>
    %mul3A_15 = arith.mulf %get3A_13, %mul3A_14 : vector<2528x128xf32>
    %swap3A_16 = arith.constant 0 : index
    %swap3A_17 = arith.constant 0 : index
    %swap3A_18 = vector.load %arg4[%swap3A_16, %swap3A_17] : memref<2528x128xf32, #tpu.memory_space<vmem>>, vector<2528x128xf32>
    tpu.vector_store %arg4[%swap3A_16, %swap3A_17], %mul3A_15 {strides = array<i32>} : memref<2528x128xf32, #tpu.memory_space<vmem>>, vector<2528x128xf32>,
    return
  }
  func.func @transform_0(%arg0: i32) -> (i32, i32) {
    %c0_i32 = arith.constant 0 : i32
    %c0_i32_0 = arith.constant 0 : i32
    return %arg0, %c0_i32 : i32, i32
  }
  func.func @transform_1(%arg0: i32) -> (i32, i32) {
    %c0_i32 = arith.constant 0 : i32
    %c0_i32_0 = arith.constant 0 : i32
    return %arg0, %c0_i32 : i32, i32
  }
  func.func @transform_2(%arg0: i32) -> (i32, i32) {
    %c0_i32 = arith.constant 0 : i32
    %c0_i32_0 = arith.constant 0 : i32
    return %arg0, %c0_i32 : i32, i32
  }
  func.func @transform_3(%arg0: i32) -> (i32, i32) {
    %c0_i32 = arith.constant 0 : i32
    %c0_i32_0 = arith.constant 0 : i32
    return %arg0, %c0_i32 : i32, i32
  }
}

module attributes {stable_mosaic.version = 14 : i64} {
  func.func @_mlp_body(%arg0: i32, %arg1: memref<2x2528x128xf32, #tpu.memory_space<vmem>>, %arg2: memref<2528x128xf32, #tpu.memory_space<vmem>>, %arg3: memref<2528x1xf32, #tpu.memory_space<vmem>>, %arg4: memref<128x256xf32, #tpu.memory_space<vmem>>, %arg5: memref<1x256xf32, #tpu.memory_space<vmem>>, %arg6: memref<256x128xf32, #tpu.memory_space<vmem>>, %arg7: memref<2528x128xf32, #tpu.memory_space<vmem>>, %arg8: memref<2528x128xf32, #tpu.memory_space<vmem>>) attributes {dimension_semantics = [#tpu.dimension_semantics<arbitrary>], iteration_bounds = array<i64: 4>, scalar_prefetch = 0 : i64, scratch_operands = 0 : i64, tpu.core_type = #tpu.core_type<tc>, window_params = [{transform_indices = @transform_0, window_bounds = array<i64: 2, 2528, 128>}, {transform_indices = @transform_1, window_bounds = array<i64: 2528, 128>}, {transform_indices = @transform_2, window_bounds = array<i64: 2528, 1>}, {pipeline_mode = #tpu.pipeline_mode<synchronous>, transform_indices = @transform_3, window_bounds = array<i64: 128, 256>}, {pipeline_mode = #tpu.pipeline_mode<synchronous>, transform_indices = @transform_4, window_bounds = array<i64: 1, 256>}, {pipeline_mode = #tpu.pipeline_mode<synchronous>, transform_indices = @transform_5, window_bounds = array<i64: 256, 128>}, {transform_indices = @transform_6, window_bounds = array<i64: 2528, 128>}, {transform_indices = @transform_7, window_bounds = array<i64: 2528, 128>}]} {
    %get3A = arith.constant 0 : index
    %get3A_0 = arith.constant 0 : index
    %get3A_1 = arith.constant 0 : index
    %get3A_2 = vector.load %arg1[%get3A, %get3A_0, %get3A_1] : memref<2x2528x128xf32, #tpu.memory_space<vmem>>, vector<1x2528x128xf32>
    %get3A_3 = vector.shape_cast %get3A_2 : vector<1x2528x128xf32> to vector<2528x128xf32>
    %get3A_4 = arith.constant 1 : index
    %get3A_5 = arith.constant 0 : index
    %get3A_6 = arith.constant 0 : index
    %get3A_7 = vector.load %arg1[%get3A_4, %get3A_5, %get3A_6] : memref<2x2528x128xf32, #tpu.memory_space<vmem>>, vector<1x2528x128xf32>
    %get3A_8 = vector.shape_cast %get3A_7 : vector<1x2528x128xf32> to vector<2528x128xf32>
    %add3A = arith.addf %get3A_3, %get3A_8 : vector<2528x128xf32>
    %get3A_9 = arith.constant 0 : index
    %get3A_10 = arith.constant 0 : index
    %get3A_11 = vector.load %arg3[%get3A_9, %get3A_10] : memref<2528x1xf32, #tpu.memory_space<vmem>>, vector<2528x1xf32>
    %get3A_12 = arith.constant 0 : index
    %get3A_13 = arith.constant 0 : index
    %get3A_14 = vector.load %arg2[%get3A_12, %get3A_13] : memref<2528x128xf32, #tpu.memory_space<vmem>>, vector<2528x128xf32>
    %add3A_15 = arith.addf %add3A, %get3A_14 : vector<2528x128xf32>
    %mul3A = vector.broadcast %get3A_11 : vector<2528x1xf32> to vector<2528x128xf32>
    %mul3A_16 = arith.mulf %add3A_15, %mul3A : vector<2528x128xf32>
    %get3A_17 = arith.constant 0 : index
    %get3A_18 = arith.constant 0 : index
    %get3A_19 = vector.load %arg4[%get3A_17, %get3A_18] : memref<128x256xf32, #tpu.memory_space<vmem>>, vector<128x256xf32>
    %dot_general3A = arith.constant dense<0.000000e+00> : vector<2528x256xf32>
    %dot_general3A_20 = tpu.matmul %mul3A_16, %get3A_19, %dot_general3A {dimension_numbers = #tpu.dot_dimension_numbers<[1], [0], [0], [1], [0, 0, 1, 1], [], []>, precision = #tpu.contract_precision<fp32>, transpose_lhs_hint = false} : vector<2528x128xf32>, vector<128x256xf32>, vector<2528x256xf32> -> vector<2528x256xf32>
    %get3A_21 = arith.constant 0 : index
    %get3A_22 = arith.constant 0 : index
    %get3A_23 = vector.load %arg5[%get3A_21, %get3A_22] : memref<1x256xf32, #tpu.memory_space<vmem>>, vector<1x256xf32>
    %add3A_24 = vector.broadcast %get3A_23 : vector<1x256xf32> to vector<2528x256xf32>
    %add3A_25 = arith.addf %dot_general3A_20, %add3A_24 : vector<2528x256xf32>
    %max3A = arith.constant 0.000000e+00 : f32
    %max3A_26 = vector.broadcast %max3A : f32 to vector<2528x256xf32>
    %max3A_27 = arith.maximumf %add3A_25, %max3A_26 : vector<2528x256xf32>
    %get3A_28 = arith.constant 0 : index
    %get3A_29 = arith.constant 0 : index
    %get3A_30 = vector.load %arg6[%get3A_28, %get3A_29] : memref<256x128xf32, #tpu.memory_space<vmem>>, vector<256x128xf32>
    %dot_general3A_31 = arith.constant dense<0.000000e+00> : vector<2528x128xf32>
    %dot_general3A_32 = tpu.matmul %max3A_27, %get3A_30, %dot_general3A_31 {dimension_numbers = #tpu.dot_dimension_numbers<[1], [0], [0], [1], [0, 0, 1, 1], [], []>, precision = #tpu.contract_precision<fp32>, transpose_lhs_hint = false} : vector<2528x256xf32>, vector<256x128xf32>, vector<2528x128xf32> -> vector<2528x128xf32>
    %swap3A = arith.constant 0 : index
    %swap3A_33 = arith.constant 0 : index
    %swap3A_34 = vector.load %arg7[%swap3A, %swap3A_33] : memref<2528x128xf32, #tpu.memory_space<vmem>>, vector<2528x128xf32>
    tpu.vector_store %arg7[%swap3A, %swap3A_33], %dot_general3A_32 {strides = array<i32>} : memref<2528x128xf32, #tpu.memory_space<vmem>>, vector<2528x128xf32>,
    %mul3A_35 = vector.broadcast %get3A_11 : vector<2528x1xf32> to vector<2528x128xf32>
    %mul3A_36 = arith.mulf %dot_general3A_32, %mul3A_35 : vector<2528x128xf32>
    %swap3A_37 = arith.constant 0 : index
    %swap3A_38 = arith.constant 0 : index
    %swap3A_39 = vector.load %arg8[%swap3A_37, %swap3A_38] : memref<2528x128xf32, #tpu.memory_space<vmem>>, vector<2528x128xf32>
    tpu.vector_store %arg8[%swap3A_37, %swap3A_38], %mul3A_36 {strides = array<i32>} : memref<2528x128xf32, #tpu.memory_space<vmem>>, vector<2528x128xf32>,
    return
  }
  func.func @transform_0(%arg0: i32) -> (i32, i32, i32) {
    %c0_i32 = arith.constant 0 : i32
    %c0_i32_0 = arith.constant 0 : i32
    %c0_i32_1 = arith.constant 0 : i32
    return %c0_i32, %arg0, %c0_i32_0 : i32, i32, i32
  }
  func.func @transform_1(%arg0: i32) -> (i32, i32) {
    %c0_i32 = arith.constant 0 : i32
    %c0_i32_0 = arith.constant 0 : i32
    return %arg0, %c0_i32 : i32, i32
  }
  func.func @transform_2(%arg0: i32) -> (i32, i32) {
    %c0_i32 = arith.constant 0 : i32
    %c0_i32_0 = arith.constant 0 : i32
    return %arg0, %c0_i32 : i32, i32
  }
  func.func @transform_3(%arg0: i32) -> (i32, i32) {
    %c0_i32 = arith.constant 0 : i32
    %c0_i32_0 = arith.constant 0 : i32
    %c0_i32_1 = arith.constant 0 : i32
    return %c0_i32, %c0_i32_0 : i32, i32
  }
  func.func @transform_4(%arg0: i32) -> (i32, i32) {
    %c0_i32 = arith.constant 0 : i32
    %c0_i32_0 = arith.constant 0 : i32
    %c0_i32_1 = arith.constant 0 : i32
    return %c0_i32, %c0_i32_0 : i32, i32
  }
  func.func @transform_5(%arg0: i32) -> (i32, i32) {
    %c0_i32 = arith.constant 0 : i32
    %c0_i32_0 = arith.constant 0 : i32
    %c0_i32_1 = arith.constant 0 : i32
    return %c0_i32, %c0_i32_0 : i32, i32
  }
  func.func @transform_6(%arg0: i32) -> (i32, i32) {
    %c0_i32 = arith.constant 0 : i32
    %c0_i32_0 = arith.constant 0 : i32
    return %arg0, %c0_i32 : i32, i32
  }
  func.func @transform_7(%arg0: i32) -> (i32, i32) {
    %c0_i32 = arith.constant 0 : i32
    %c0_i32_0 = arith.constant 0 : i32
    return %arg0, %c0_i32 : i32, i32
  }
}

module attributes {stable_mosaic.version = 14 : i64} {
  func.func @_pool_body(%arg0: i32, %arg1: memref<2x2528x128xf32, #tpu.memory_space<vmem>>, %arg2: memref<2528x128xf32, #tpu.memory_space<vmem>>, %arg3: memref<2528x1xf32, #tpu.memory_space<vmem>>, %arg4: memref<2528x1xi32, #tpu.memory_space<vmem>>, %arg5: memref<1x128xf32, #tpu.memory_space<vmem>>, %arg6: memref<16x128xf32, #tpu.memory_space<vmem>>, %arg7: memref<16x128xf32, #tpu.memory_space<vmem>>, %arg8: memref<16x128xf32, #tpu.memory_space<vmem>>) attributes {dimension_semantics = [#tpu.dimension_semantics<arbitrary>], iteration_bounds = array<i64: 4>, scalar_prefetch = 0 : i64, scratch_operands = 2 : i64, tpu.core_type = #tpu.core_type<tc>, window_params = [{transform_indices = @transform_0, window_bounds = array<i64: 2, 2528, 128>}, {transform_indices = @transform_1, window_bounds = array<i64: 2528, 128>}, {transform_indices = @transform_2, window_bounds = array<i64: 2528, 1>}, {transform_indices = @transform_3, window_bounds = array<i64: 2528, 1>}, {pipeline_mode = #tpu.pipeline_mode<synchronous>, transform_indices = @transform_4, window_bounds = array<i64: 1, 128>}, {pipeline_mode = #tpu.pipeline_mode<synchronous>, transform_indices = @transform_5, window_bounds = array<i64: 16, 128>}]} {
    %eq3A = arith.constant 0 : i32
    %eq3A_0 = arith.cmpi eq, %arg0, %eq3A : i32
    %convert_element_type3A = arith.extui %eq3A_0 : i1 to i32
    %cond3A = arith.constant 0 : i32
    %cond3A_1 = arith.cmpi ne, %convert_element_type3A, %cond3A : i32
    scf.if %cond3A_1 {
      %broadcast_in_dim3A_50 = arith.constant 0.000000e+00 : f32
      %broadcast_in_dim3A_51 = vector.broadcast %broadcast_in_dim3A_50 : f32 to vector<16x128xf32>
      %swap3A_52 = arith.constant 0 : index
      %swap3A_53 = arith.constant 0 : index
      %swap3A_54 = vector.load %arg7[%swap3A_52, %swap3A_53] : memref<16x128xf32, #tpu.memory_space<vmem>>, vector<16x128xf32>
      tpu.vector_store %arg7[%swap3A_52, %swap3A_53], %broadcast_in_dim3A_51 {strides = array<i32>} : memref<16x128xf32, #tpu.memory_space<vmem>>, vector<16x128xf32>,
      %broadcast_in_dim3A_55 = arith.constant 0.000000e+00 : f32
      %broadcast_in_dim3A_56 = vector.broadcast %broadcast_in_dim3A_55 : f32 to vector<16x128xf32>
      %swap3A_57 = arith.constant 0 : index
      %swap3A_58 = arith.constant 0 : index
      %swap3A_59 = vector.load %arg8[%swap3A_57, %swap3A_58] : memref<16x128xf32, #tpu.memory_space<vmem>>, vector<16x128xf32>
      tpu.vector_store %arg8[%swap3A_57, %swap3A_58], %broadcast_in_dim3A_56 {strides = array<i32>} : memref<16x128xf32, #tpu.memory_space<vmem>>, vector<16x128xf32>,
    } else {
    }
    %get3A = arith.constant 0 : index
    %get3A_2 = arith.constant 0 : index
    %get3A_3 = vector.load %arg3[%get3A, %get3A_2] : memref<2528x1xf32, #tpu.memory_space<vmem>>, vector<2528x1xf32>
    %get3A_4 = arith.constant 0 : index
    %get3A_5 = arith.constant 0 : index
    %get3A_6 = arith.constant 0 : index
    %get3A_7 = vector.load %arg1[%get3A_4, %get3A_5, %get3A_6] : memref<2x2528x128xf32, #tpu.memory_space<vmem>>, vector<1x2528x128xf32>
    %get3A_8 = vector.shape_cast %get3A_7 : vector<1x2528x128xf32> to vector<2528x128xf32>
    %get3A_9 = arith.constant 1 : index
    %get3A_10 = arith.constant 0 : index
    %get3A_11 = arith.constant 0 : index
    %get3A_12 = vector.load %arg1[%get3A_9, %get3A_10, %get3A_11] : memref<2x2528x128xf32, #tpu.memory_space<vmem>>, vector<1x2528x128xf32>
    %get3A_13 = vector.shape_cast %get3A_12 : vector<1x2528x128xf32> to vector<2528x128xf32>
    %add3A = arith.addf %get3A_8, %get3A_13 : vector<2528x128xf32>
    %get3A_14 = arith.constant 0 : index
    %get3A_15 = arith.constant 0 : index
    %get3A_16 = vector.load %arg2[%get3A_14, %get3A_15] : memref<2528x128xf32, #tpu.memory_space<vmem>>, vector<2528x128xf32>
    %mul3A = vector.broadcast %get3A_3 : vector<2528x1xf32> to vector<2528x128xf32>
    %mul3A_17 = arith.mulf %get3A_16, %mul3A : vector<2528x128xf32>
    %add3A_18 = arith.addf %add3A, %mul3A_17 : vector<2528x128xf32>
    %mul3A_19 = vector.broadcast %get3A_3 : vector<2528x1xf32> to vector<2528x128xf32>
    %mul3A_20 = arith.mulf %add3A_18, %mul3A_19 : vector<2528x128xf32>
    %get3A_21 = arith.constant 0 : index
    %get3A_22 = arith.constant 0 : index
    %get3A_23 = vector.load %arg4[%get3A_21, %get3A_22] : memref<2528x1xi32, #tpu.memory_space<vmem>>, vector<2528x1xi32>
    %iota3A = tpu.iota {dimensions = array<i32: 1>} : vector<2528x16xi32>
    %eq3A_24 = vector.broadcast %get3A_23 : vector<2528x1xi32> to vector<2528x16xi32>
    %eq3A_25 = arith.cmpi eq, %iota3A, %eq3A_24 : vector<2528x16xi32>
    %convert_element_type3A_26 = arith.extui %eq3A_25 : vector<2528x16xi1> to vector<2528x16xi32>
    %convert_element_type3A_27 = arith.sitofp %convert_element_type3A_26 : vector<2528x16xi32> to vector<2528x16xf32>
    %get3A_28 = arith.constant 0 : index
    %get3A_29 = arith.constant 0 : index
    %get3A_30 = vector.load %arg7[%get3A_28, %get3A_29] : memref<16x128xf32, #tpu.memory_space<vmem>>, vector<16x128xf32>
    %dot_general3A = arith.constant dense<0.000000e+00> : vector<16x128xf32>
    %dot_general3A_31 = tpu.matmul %convert_element_type3A_27, %mul3A_20, %dot_general3A {dimension_numbers = #tpu.dot_dimension_numbers<[0], [0], [1], [1], [0, 1, 1, 1], [], []>, precision = #tpu.contract_precision<fp32>, transpose_lhs_hint = false} : vector<2528x16xf32>, vector<2528x128xf32>, vector<16x128xf32> -> vector<16x128xf32>
    %add3A_32 = arith.addf %get3A_30, %dot_general3A_31 : vector<16x128xf32>
    %swap3A = arith.constant 0 : index
    %swap3A_33 = arith.constant 0 : index
    %swap3A_34 = vector.load %arg7[%swap3A, %swap3A_33] : memref<16x128xf32, #tpu.memory_space<vmem>>, vector<16x128xf32>
    tpu.vector_store %arg7[%swap3A, %swap3A_33], %add3A_32 {strides = array<i32>} : memref<16x128xf32, #tpu.memory_space<vmem>>, vector<16x128xf32>,
    %get3A_35 = arith.constant 0 : index
    %get3A_36 = arith.constant 0 : index
    %get3A_37 = vector.load %arg8[%get3A_35, %get3A_36] : memref<16x128xf32, #tpu.memory_space<vmem>>, vector<16x128xf32>
    %broadcast_in_dim3A = arith.constant 1.000000e+00 : f32
    %broadcast_in_dim3A_38 = vector.broadcast %broadcast_in_dim3A : f32 to vector<2528x128xf32>
    %dot_general3A_39 = arith.constant dense<0.000000e+00> : vector<16x128xf32>
    %dot_general3A_40 = tpu.matmul %convert_element_type3A_27, %broadcast_in_dim3A_38, %dot_general3A_39 {dimension_numbers = #tpu.dot_dimension_numbers<[0], [0], [1], [1], [0, 1, 1, 1], [], []>, precision = #tpu.contract_precision<fp32>, transpose_lhs_hint = false} : vector<2528x16xf32>, vector<2528x128xf32>, vector<16x128xf32> -> vector<16x128xf32>
    %add3A_41 = arith.addf %get3A_37, %dot_general3A_40 : vector<16x128xf32>
    %swap3A_42 = arith.constant 0 : index
    %swap3A_43 = arith.constant 0 : index
    %swap3A_44 = vector.load %arg8[%swap3A_42, %swap3A_43] : memref<16x128xf32, #tpu.memory_space<vmem>>, vector<16x128xf32>
    tpu.vector_store %arg8[%swap3A_42, %swap3A_43], %add3A_41 {strides = array<i32>} : memref<16x128xf32, #tpu.memory_space<vmem>>, vector<16x128xf32>,
    %eq3A_45 = arith.constant 3 : i32
    %eq3A_46 = arith.cmpi eq, %arg0, %eq3A_45 : i32
    %convert_element_type3A_47 = arith.extui %eq3A_46 : i1 to i32
    %cond3A_48 = arith.constant 0 : i32
    %cond3A_49 = arith.cmpi ne, %convert_element_type3A_47, %cond3A_48 : i32
    scf.if %cond3A_49 {
      %get3A_50 = arith.constant 0 : index
      %get3A_51 = arith.constant 0 : index
      %get3A_52 = vector.load %arg7[%get3A_50, %get3A_51] : memref<16x128xf32, #tpu.memory_space<vmem>>, vector<16x128xf32>
      %get3A_53 = arith.constant 0 : index
      %get3A_54 = arith.constant 0 : index
      %get3A_55 = vector.load %arg8[%get3A_53, %get3A_54] : memref<16x128xf32, #tpu.memory_space<vmem>>, vector<16x128xf32>
      %max3A = arith.constant 1.000000e+00 : f32
      %max3A_56 = vector.broadcast %max3A : f32 to vector<16x128xf32>
      %max3A_57 = arith.maximumf %get3A_55, %max3A_56 : vector<16x128xf32>
      %div3A = arith.divf %get3A_52, %max3A_57 : vector<16x128xf32>
      %get3A_58 = arith.constant 0 : index
      %get3A_59 = arith.constant 0 : index
      %get3A_60 = vector.load %arg5[%get3A_58, %get3A_59] : memref<1x128xf32, #tpu.memory_space<vmem>>, vector<1x128xf32>
      %add3A_61 = vector.broadcast %get3A_60 : vector<1x128xf32> to vector<16x128xf32>
      %add3A_62 = arith.addf %div3A, %add3A_61 : vector<16x128xf32>
      %swap3A_63 = arith.constant 0 : index
      %swap3A_64 = arith.constant 0 : index
      %swap3A_65 = vector.load %arg6[%swap3A_63, %swap3A_64] : memref<16x128xf32, #tpu.memory_space<vmem>>, vector<16x128xf32>
      tpu.vector_store %arg6[%swap3A_63, %swap3A_64], %add3A_62 {strides = array<i32>} : memref<16x128xf32, #tpu.memory_space<vmem>>, vector<16x128xf32>,
    } else {
    }
    return
  }
  func.func @transform_0(%arg0: i32) -> (i32, i32, i32) {
    %c0_i32 = arith.constant 0 : i32
    %c0_i32_0 = arith.constant 0 : i32
    %c0_i32_1 = arith.constant 0 : i32
    return %c0_i32, %arg0, %c0_i32_0 : i32, i32, i32
  }
  func.func @transform_1(%arg0: i32) -> (i32, i32) {
    %c0_i32 = arith.constant 0 : i32
    %c0_i32_0 = arith.constant 0 : i32
    return %arg0, %c0_i32 : i32, i32
  }
  func.func @transform_2(%arg0: i32) -> (i32, i32) {
    %c0_i32 = arith.constant 0 : i32
    %c0_i32_0 = arith.constant 0 : i32
    return %arg0, %c0_i32 : i32, i32
  }
  func.func @transform_3(%arg0: i32) -> (i32, i32) {
    %c0_i32 = arith.constant 0 : i32
    %c0_i32_0 = arith.constant 0 : i32
    return %arg0, %c0_i32 : i32, i32
  }
  func.func @transform_4(%arg0: i32) -> (i32, i32) {
    %c0_i32 = arith.constant 0 : i32
    %c0_i32_0 = arith.constant 0 : i32
    %c0_i32_1 = arith.constant 0 : i32
    return %c0_i32, %c0_i32_0 : i32, i32
  }
  func.func @transform_5(%arg0: i32) -> (i32, i32) {
    %c0_i32 = arith.constant 0 : i32
    %c0_i32_0 = arith.constant 0 : i32
    %c0_i32_1 = arith.constant 0 : i32
    return %c0_i32, %c0_i32_0 : i32, i32
  }
}

</mosaic_0001>

<sc_bundles>
// kernel: kernel.11.cloned.1.call-start
scs
__scs_entry_jumppad:
0x0: {  	(pc) =	sbr.rel $0x88, $3  }
0x1: {  	(tag) =	ssettag $0x0;
	lr =	simm.s32 $0x1  }
0x2: {  	[smem:$0x3F9A] =	sst lr;
	_ =	strace $0xD0000000  }
0x3: {  	_ = 	snop  }
0x4: {  	_ = 	snop  }
0x5: {  	_ = 	snop  }
0x6: {  	_ = 	snop  }
0x7: {  	_ = 	snop  }
__scs_overlays_trampoline_lowered:
0x8: {  	[smem:$0x3FA9] =	sst s0  }
0x9: {  	[smem:$0x3FAA] =	sst s1  }
0xa: {  	[smem:$0x3FAB] =	sst s2  }
0xb: {  	[smem:$0x3FAC] =	sst s3  }
0xc: {  	[smem:$0x3FAD] =	sst s4  }
0xd: {  	[smem:$0x3FAE] =	sst s5  }
0xe: {  	[smem:$0x3FAF] =	sst s6  }
0xf: {  	[smem:$0x3FB0] =	sst s7  }
0x10: {  	[smem:$0x3FB1] =	sst s8  }
0x11: {  	[smem:$0x3FB2] =	sst s9;
	s0 =	simm.s32 @!p0 $0x0  }
0x12: {  	s1 =	sld [smem:$0x3F98];
	s0 =	simm.s32 @p0 $0x1  }
0x13: {  	[smem:$0x3FB3] =	sst s0;
	s0 =	simm.s32 @!p1 $0x0  }
0x14: {  	s2 =	sld [smem:$0x3F97];
	s0 =	simm.s32 @p1 $0x1  }
0x15: {  	[smem:$0x3FB4] =	sst s0;
	s0 =	simm.s32 @!p2 $0x0  }
0x16: {  	s3 =	sld [smem:$0x3FDB];
	s0 =	simm.s32 @p2 $0x1  }
0x17: {  	s4 =	simm.s32 $0x1BF5;
	[smem:$0x3FB6] =	sst s0  }
0x18: {  	s0 =	sld [smem:$0x3F99];
	_ =	swait.ge [sflag:s4], $0x0  }
0x19: {  	s7 =	sld [smem:$0x3F9A]  }
0x1a: {  	s8 =	sadd.s32 $0xFFFFE003, lr  }
0x1b: {  	s9 =	sadd.s32 $0xFFFFFEF7, lr;
	s5 =	simm.s32 $0xFFFFFFFF;
	p2 =	slt.u32 s8, $0xFFFFF086  }
0x1c: {  	p1 =	slt.u32 s9, $0xF7A;
	s5 =	simm.s32 @!p2 $0x0  }
0x1d: {  	s5 =	simm.s32 @p1 $0x1;
	p0 =	seq.s32 s7, s2  }
0x1e: {  	s7 =	smul.u32 @!p0 $0xF7A, s2;
	p2 =	seq.s32 @!p0 s5, $0x0  }
0x1f: {  	s9 =	smul.u32 $0xF7A, s1;
	s8 =	simm.s32 @!p0 $0x1BF5;
	p2 =	por !p2, p0  }
0x20: {  	[sflag:s8] =	ssyncset.s32 @!p0 $0xFFFFF086;
	s6 =	sadd.s32 @!p0 s3, s7;
	s7 =	simm.s32 @!p0 $0x108  }
0x21: {  	s3 =	sadd.s32 s3, s9;
	s6 =	sadd.s32 @!p0 $0x88, s6;
	s7 =	simm.s32 @p2 $0x1082  }
0x22: {  	[simem:s7], [sflag:s8] =	dma.local @!p0 [hbm:s6], $0xF7A  }
0x23: {  	s9 =	sor.u32 $0xD0000000, s2;
	s6 =	simm.s32 $0x108;
	_ =	swait.ge @!p0 [sflag:s8], $0x0  }
0x24: {  	s3 =	sadd.s32 $0x88, s3;
	s6 =	simm.s32 @!p1 $0x1082;
	[sflag:s4] =	ssyncset.s32 $0xFFFFF086  }
0x25: {  	[simem:s6], [sflag:s4] =	dma.local [hbm:s3], $0xF7A  }
0x26: {  	[smem:$0x3F9A] =	sst s1;
	(tag) =	ssettag s2;
	_ =	strace s9  }
0x27: {  	s1 =	sld [smem:$0x3FAA]  }
0x28: {  	s2 =	sld [smem:$0x3FAB]  }
0x29: {  	s4 =	sld [smem:$0x3FAD]  }
0x2a: {  	p0 =	seq.s32 s5, $0x0;
	s5 =	sld [smem:$0x3FAE]  }
0x2b: {  	s6 =	sld [smem:$0x3FAF]  }
0x2c: {  	s7 =	sld [smem:$0x3FB0]  }
0x2d: {  	s3 =	simm.s32 $0x108;
	s8 =	sld [smem:$0x3FB1]  }
0x2e: {  	s3 =	simm.s32 @!p0 $0x1082;
	s9 =	sld [smem:$0x3FB2]  }
0x2f: {  	lr =	sadd.s32 s0, s3;
	s0 =	sld [smem:$0x3FA9]  }
0x30: {  	s3 =	sld [smem:$0x3FAC]  }
0x31: {  	[smem:$0x3FB5] =	sst s10  }
0x32: {  	s10 =	sld [smem:$0x3FB3];
	_ =	sdelay $0x3  }
0x33: {  	p0 =	seq.s32 s10, $0x1;
	s10 =	sld [smem:$0x3FB5];
	_ =	sdelay $0x3  }
0x34: {  	[smem:$0x3FB5] =	sst s10  }
0x35: {  	s10 =	sld [smem:$0x3FB4];
	_ =	sdelay $0x3  }
0x36: {  	p1 =	seq.s32 s10, $0x1;
	s10 =	sld [smem:$0x3FB5];
	_ =	sdelay $0x3  }
0x37: {  	[smem:$0x3FB5] =	sst s10  }
0x38: {  	s10 =	sld [smem:$0x3FB6]  }
0x39: {  	_ = 	snop;
	(pc) =	sbr.ind lr, $3  }
0x3a: {  	_ = 	snop  }
0x3b: {  	_ = 	snop  }
0x3c: {  	p2 =	seq.s32 s10, $0x1;
	s10 =	sld [smem:$0x3FB5]  }
0x3d: {  	_ =	shalt  }
0x3e: {  	_ =	shalt  }
0x3f: {  	_ =	shalt  }
0x40: {  	_ =	shalt  }
0x41: {  	_ =	shalt  }
0x42: {  	_ =	shalt  }
0x43: {  	_ =	shalt  }
0x44: {  	_ =	shalt  }
0x45: {  	_ =	shalt  }
0x46: {  	_ =	shalt  }
0x47: {  	_ =	shalt  }
0x48: {  	_ =	shalt  }
0x49: {  	_ =	shalt  }
0x4a: {  	_ =	shalt  }
0x4b: {  	_ =	shalt  }
0x4c: {  	_ =	shalt  }
0x4d: {  	_ =	shalt  }
0x4e: {  	_ =	shalt  }
0x4f: {  	_ =	shalt  }
0x50: {  	_ =	shalt  }
0x51: {  	_ =	shalt  }
0x52: {  	_ =	shalt  }
0x53: {  	_ =	shalt  }
0x54: {  	_ =	shalt  }
0x55: {  	_ =	shalt  }
0x56: {  	_ =	shalt  }
0x57: {  	_ =	shalt  }
0x58: {  	_ =	shalt  }
0x59: {  	_ =	shalt  }
0x5a: {  	_ =	shalt  }
0x5b: {  	_ =	shalt  }
0x5c: {  	_ =	shalt  }
0x5d: {  	_ =	shalt  }
0x5e: {  	_ =	shalt  }
0x5f: {  	_ =	shalt  }
0x60: {  	_ =	shalt  }
0x61: {  	_ =	shalt  }
0x62: {  	_ =	shalt  }
0x63: {  	_ =	shalt  }
0x64: {  	_ =	shalt  }
0x65: {  	_ =	shalt  }
0x66: {  	_ =	shalt  }
0x67: {  	_ =	shalt  }
0x68: {  	_ =	shalt  }
0x69: {  	_ =	shalt  }
0x6a: {  	_ =	shalt  }
0x6b: {  	_ =	shalt  }
0x6c: {  	_ =	shalt  }
0x6d: {  	_ =	shalt  }
0x6e: {  	_ =	shalt  }
0x6f: {  	_ =	shalt  }
0x70: {  	_ =	shalt  }
0x71: {  	_ =	shalt  }
0x72: {  	_ =	shalt  }
0x73: {  	_ =	shalt  }
0x74: {  	_ =	shalt  }
0x75: {  	_ =	shalt  }
0x76: {  	_ =	shalt  }
0x77: {  	_ =	shalt  }
0x78: {  	_ =	shalt  }
0x79: {  	_ =	shalt  }
0x7a: {  	_ =	shalt  }
0x7b: {  	_ =	shalt  }
0x7c: {  	_ =	shalt  }
0x7d: {  	_ =	shalt  }
0x7e: {  	_ =	shalt  }
0x7f: {  	_ =	shalt  }
0x80: {  	_ =	shalt  }
0x81: {  	_ =	shalt  }
0x82: {  	_ =	shalt  }
0x83: {  	_ =	shalt  }
0x84: {  	_ =	shalt  }
0x85: {  	_ =	shalt  }
0x86: {  	_ =	shalt  }
0x87: {  	_ =	shalt  }
.Lfunc_end0:
.L_simem_size_0:
called_computation.1_lowered:
.L_overlay_start_0:
0x88: {  	s2 =	sld [smem:$0x3FD9]  }
0x89: {  	s3 =	sld [smem:$0x3FFE];
	_ =	sdelay $0x1  }
0x8a: {  	s1 =	srdreg.scid  }
0x8b: {  	s0 =	sand.u32 $0x1, s1  }
0x8c: {  	s16 =	sshll.u32 s0, $0xA;
	s2 =	sadd.s32 s3, s2  }
0x8d: {  	s2 =	sadd.s32 s2, s16  }
0x8e: {  	[smem:$0x3FC1] =	sst s2  }
0x8f: {  	_ = 	snop  }
0x90: {  	(tm) =	ssettm $0x1  }
0x91: {  	s17 =	sld [smem:$0x3FFB];
	_ =	sdelay $0x3  }
0x92: {  	_ =	strace s17  }
0x93: {  	s2 =	sld [smem:$0x3FFC];
	_ =	sdelay $0x3  }
0x94: {  	_ =	strace s2  }
0x95: {  	s2 =	sld [smem:$0x3FFD];
	_ =	sdelay $0x3  }
0x96: {  	_ =	strace s2  }
0x97: {  	_ =	strace $0x8FFFFFFF  }
0x98: {  	s18 =	sld [smem:$0x3FDB];
	_ =	sdelay $0x1  }
0x99: {  	s19 =	simm.s32 $_scs_section_size  }
0x9a: {  	s4 =	simm.s32 $_size__tile_overlayer_lowered;
	s5 =	simm.s32 $_tile_overlayer_lowered  }
0x9b: {  	s22 =	simm.s32 $0x1BFF;
	s21 =	sshll.u32 s5, $0x1;
	s2 =	sadd.s32 s19, s18  }
0x9c: {  	s6 =	simm.s32 $0x0;
	s20 =	sshll.u32 s4, $0x1;
	s4 =	sadd.s32 s21, s2  }
0x9d: {  	[timem:s6], [sflag:s22] =	dma.local [hbm:s4], s20  }
0x9e: {  	_ =	swait.ge [sflag:s22], s20  }
0x9f: {  	s3 =	ssub.s32 $0x0, s20;
	[sflag:s22] =	ssyncset.done $0x0  }
0xa0: {  	[sflag:s22] =	ssyncadd.s32 s3;
	_ =	sdelay $0x1  }
0xa1: {  	s23 =	simm.s32 $0x1B8B  }
0xa2: {  	_ =	swait.ge [sflag:s23], $0x1  }
0xa3: {  	[sflag:s23] =	ssyncset.done $0x0  }
0xa4: {  	s25 =	simm.s32 $0x1B8E;
	s24 =	sld [smem:$0x3FFE];
	[sflag:s23] =	ssyncadd.s32 $0xFFFFFFFF  }
0xa5: {  	s26 =	simm.s32 $execute0_lowered;
	[smem:$0x3FD2] =	sst s25  }
0xa6: {  	s4 =	sshll.u32 s26, $0x1;
	_ =	strace $0x80000049;
	[dreg:$0x1] =	wrdreg $0xFFFFFFFF  }
0xa7: {  	s28 =	simm.s32 $_size_execute0_lowered;
	s2 =	sadd.s32 s2, s4;
	[dreg:$0x0] =	wrdreg $0x0  }
0xa8: {  	s4 =	sshll.u32 s28, $0x1;
	[dreg:$0x2] =	wrdreg s2  }
0xa9: {  	[dreg:$0x3] =	wrdreg s4  }
0xaa: {  	[dreg:$0x4] =	wrdreg $0xC0  }
0xab: {  	_ =	task [dreg:s6], $0x5FFFF  }
0xac: {  	[dreg:$0x1] =	wrdreg $0xFFFFFFFF  }
0xad: {  	[dreg:$0x0] =	wrdreg $0x60  }
0xae: {  	[dreg:$0x2] =	wrdreg s24  }
0xaf: {  	[dreg:$0x3] =	wrdreg $0x48000  }
0xb0: {  	[dreg:$0x4] =	wrdreg $0x9  }
0xb1: {  	_ =	task.clear_ibuf [dreg:s6], $0x5FFFF;
	_ =	strace $0x90000049  }
0xb2: {  	s29 =	simm.s32 $0x9;
	_ =	strace $0x8000004B  }
0xb3: {  	_ =	swait.ge [sflag:s29], $0x1  }
0xb4: {  	[sflag:s29] =	ssyncadd.s32 $0xFFFFFFFF  }
0xb5: {  	_ =	strace $0x9000004B  }
0xb6: {  	_ =	sfence  }
0xb7: {  	s30 =	sld [smem:$0x0];
	_ =	sdelay $0x2  }
0xb8: {  	s31 =	sshll.u32 s1, $0xD;
	s1 =	sshrl.u32 s1, $0x2  }
0xb9: {  	s3 =	sand.u32 $0x4000, s31;
	s1 =	sadd.s32 s1, s30  }
0xba: {  	s0 =	sor.u32 s3, s0;
	s1 =	sshll.u32 s1, $0x11  }
0xbb: {  	s0 =	sor.u32 s1, s0  }
0xbc: {  	s0 =	sadd.s32 $0x8F2B, s0  }
0xbd: {  	[sflag:s0] =	ssyncadd.remote.s32 $0x1  }
0xbe: {  	_ =	sfence.sel $0xFFFF  }
0xbf: {  	[dreg:$0x0] =	wrdreg $0xFFFFFFFF;
	(pc) =	sbr.abs _section_cstart, $3  }
0xc0: {  	[dreg:$0x1] =	wrdreg $0xFFFFFFFF  }
0xc1: {  	_ =	task.clear_ibuf [dreg:s6], $0x2FFFF;
	_ =	strace $0x9FFFFFFF  }
0xc2: {  	(tm) =	ssettm $0x7FFFFFFF  }
0xc3: {  	_ =	shalt  }
tec
execute0_lowered:
.L_overlay_start_1:
0x0: {  	(tag) =	ssettag $0x1  }
0x1: {  	s0 =	srdreg.scid  }
0x2: {  	s1 =	rddreg [dreg:$0x0];
	s8 =	stileid.u32  }
0x3: {  	s2 =	rddreg [dreg:$0x1];
	s3 =	simm.s32 $0x0;
	s12 =	simm.s32 $0x1  }
0x4: {  	s13 =	simm.s32 $0x400;
	s14 =	simm.s32 $0x80;
	s15 =	simm.s32 $0x800  }
0x5: {  	s16 =	simm.s32 $0x480;
	s17 =	simm.s32 $0x100;
	s18 =	simm.s32 $0x500  }
0x6: {  	s19 =	simm.s32 $0x180;
	s20 =	simm.s32 $0x580;
	s21 =	simm.s32 $0x200  }
0x7: {  	s22 =	simm.s32 $0x600;
	s23 =	simm.s32 $0x280;
	s5 =	smul.u32 $0x2800, s8  }
0x8: {  	s28 =	simm.s32 $0x700;
	s29 =	simm.s32 $0x380;
	s7 =	smul.u32 $0x13C00, s8  }
0x9: {  	s30 =	simm.s32 $0x780;
	s0 =	sand.u32 $0x1, s0;
	s24 =	smul.u32 $0x4F000, s8  }
0xa: {  	s31 =	simm.s32 $0x0;
	[smem:$0x7FF] =	sst s3;
	s4 =	smul.u32 $0x28000, s0  }
0xb: {  	s26 =	sshll.u32 s8, $0x6;
	s6 =	smul.u32 $0x13C000, s0;
	s0 =	ssub.s32 $0x2, s0  }
0xc: {  	p0 =	sne.s32 s8, $0xF;
	_ =	strace $0x8000004A;
	s25 =	sshrl.u32 s0, $0x1  }
0xd: {  	s5 =	sadd.s32 s5, s4;
	s4 =	sadd.s32 $0xE800, s1;
	s6 =	sadd.s32 s7, s6  }
0xe: {  	s7 =	sshrl.u32 s24, $0x2;
	s0 =	ssub.s32 s0, s25;
	s25 =	sadd.s32 $0x138800, s2  }
0xf: {  	s24 =	simm.s32 $0x680;
	s5 =	sshrl.u32 s5, $0x3;
	s6 =	sshrl.u32 s6, $0x3  }
0x10: {  	s7 =	sadd.s32 s7, s2;
	s0 =	smax.u32 s0, $0x1;
	s10 =	sadd.s32 s5, s1  }
0x11: {  	s5 =	sadd.s32 $0xC000, s1;
	s1 =	sadd.s32 s6, s1;
	s6 =	sor.u32 $0x1C01, s26  }
0x12: {  	[dreg:$0x4] =	wrdreg s0;
	s11 =	sshrl.u32 s7, $0x3;
	s0 =	sshrl.u32 @!p0 s25, $0x3  }
0x13: {  	s26 =	simm.s32 $0x300;
	s1 =	sadd.s32 $0x68000, s1;
	[dreg:$0x5] =	wrdreg s0  }
0x14: {  	s9 =	sadd.s32 $0x2000, s10;
	s10 =	sadd.s32 $0x5E000, s10;
	[dreg:$0x3] =	wrdreg s1  }
.LBB2_1:
0x15: {  	[spmem:s11], [sflag:s6] =	dma.local [hbm:s5], $0x2780  }
0x16: {  	_ =	swait.ge [sflag:s12], $0x2780  }
0x17: {  	[sflag:s12] =	ssyncset.done $0x0  }
0x18: {  	[sflag:s12] =	ssyncadd.s32 $0xFFFFD880  }
0x19: {  	s0 =	sadd.s32 $0x0, s10;
	[bflag:$0x0] =	sbarrier.arrive $0xFFFF  }
0x1a: {  	[tilespmem:s3], [sflag:$0x1] =	stream.linear.gather [hbm4b:s0+s3], $0x400, $0x38;
	[tilespmem:$0x18400] =	vst v63  }
0x1b: {  	_ =	swait.ge [sflag:s12], $0x400  }
0x1c: {  	[sflag:s12] =	ssyncset.done $0x0  }
0x1d: {  	s25 =	sadd.s32 $0x0, s9;
	[sflag:s12] =	ssyncadd.s32 $0xFFFFFC00  }
0x1e: {  	[tilespmem:s13], [sflag:$0x1] =	stream.linear.gather [hbm4b:s25+s3], $0x400, $0x38;
	[tilespmem:$0x18400] =	vst v63  }
0x1f: {  	_ =	swait.ge [sflag:s12], $0x400  }
0x20: {  	[sflag:s12] =	ssyncset.done $0x0  }
0x21: {  	[sflag:s12] =	ssyncadd.s32 $0xFFFFFC00  }
0x22: {  	[tilespmem:s15], [sflag:$0x1] =	stream.indirect.gather [hbm4b:s4+s14], $0x80, s3, s14, $0xb8;
	[tilespmem:$0x18400] =	vst v63  }
0x23: {  	_ =	swait.ge [sflag:s12], $0x4000  }
0x24: {  	[sflag:s12] =	ssyncset.done $0x0  }
0x25: {  	[sflag:s12] =	ssyncadd.s32 $0xFFFFC000  }
0x26: {  	[spmem:s2] =	stream.indirect.scatter.add.f32 [tilespmem:s15], [sflag:$0x1], $0x80, s13, s14, $0xb8;
	[tilespmem:$0x18400] =	vst v63  }
0x27: {  	_ =	swait.ge [sflag:s12], $0x4000  }
0x28: {  	[sflag:s12] =	ssyncset.done $0x0  }
0x29: {  	[sflag:s12] =	ssyncadd.s32 $0xFFFFC000  }
0x2a: {  	[tilespmem:s15], [sflag:$0x1] =	stream.indirect.gather [hbm4b:s4+s14], $0x80, s14, s14, $0xb8;
	[tilespmem:$0x18400] =	vst v63  }
0x2b: {  	_ =	swait.ge [sflag:s12], $0x4000  }
0x2c: {  	[sflag:s12] =	ssyncset.done $0x0  }
0x2d: {  	[sflag:s12] =	ssyncadd.s32 $0xFFFFC000  }
0x2e: {  	[spmem:s2] =	stream.indirect.scatter.add.f32 [tilespmem:s15], [sflag:$0x1], $0x80, s16, s14, $0xb8;
	[tilespmem:$0x18400] =	vst v63  }
0x2f: {  	_ =	swait.ge [sflag:s12], $0x4000  }
0x30: {  	[sflag:s12] =	ssyncset.done $0x0  }
0x31: {  	[sflag:s12] =	ssyncadd.s32 $0xFFFFC000  }
0x32: {  	[tilespmem:s15], [sflag:$0x1] =	stream.indirect.gather [hbm4b:s4+s14], $0x80, s17, s14, $0xb8;
	[tilespmem:$0x18400] =	vst v63  }
0x33: {  	_ =	swait.ge [sflag:s12], $0x4000  }
0x34: {  	[sflag:s12] =	ssyncset.done $0x0  }
0x35: {  	[sflag:s12] =	ssyncadd.s32 $0xFFFFC000  }
0x36: {  	[spmem:s2] =	stream.indirect.scatter.add.f32 [tilespmem:s15], [sflag:$0x1], $0x80, s18, s14, $0xb8;
	[tilespmem:$0x18400] =	vst v63  }
0x37: {  	_ =	swait.ge [sflag:s12], $0x4000  }
0x38: {  	[sflag:s12] =	ssyncset.done $0x0  }
0x39: {  	[sflag:s12] =	ssyncadd.s32 $0xFFFFC000  }
0x3a: {  	[tilespmem:s15], [sflag:$0x1] =	stream.indirect.gather [hbm4b:s4+s14], $0x80, s19, s14, $0xb8;
	[tilespmem:$0x18400] =	vst v63  }
0x3b: {  	_ =	swait.ge [sflag:s12], $0x4000  }
0x3c: {  	[sflag:s12] =	ssyncset.done $0x0  }
0x3d: {  	[sflag:s12] =	ssyncadd.s32 $0xFFFFC000  }
0x3e: {  	[spmem:s2] =	stream.indirect.scatter.add.f32 [tilespmem:s15], [sflag:$0x1], $0x80, s20, s14, $0xb8;
	[tilespmem:$0x18400] =	vst v63  }
0x3f: {  	_ =	swait.ge [sflag:s12], $0x4000  }
0x40: {  	[sflag:s12] =	ssyncset.done $0x0  }
0x41: {  	[sflag:s12] =	ssyncadd.s32 $0xFFFFC000  }
0x42: {  	[tilespmem:s15], [sflag:$0x1] =	stream.indirect.gather [hbm4b:s4+s14], $0x80, s21, s14, $0xb8;
	[tilespmem:$0x18400] =	vst v63  }
0x43: {  	_ =	swait.ge [sflag:s12], $0x4000  }
0x44: {  	[sflag:s12] =	ssyncset.done $0x0  }
0x45: {  	[sflag:s12] =	ssyncadd.s32 $0xFFFFC000  }
0x46: {  	[spmem:s2] =	stream.indirect.scatter.add.f32 [tilespmem:s15], [sflag:$0x1], $0x80, s22, s14, $0xb8;
	[tilespmem:$0x18400] =	vst v63  }
0x47: {  	_ =	swait.ge [sflag:s12], $0x4000  }
0x48: {  	[sflag:s12] =	ssyncset.done $0x0  }
0x49: {  	[sflag:s12] =	ssyncadd.s32 $0xFFFFC000  }
0x4a: {  	[tilespmem:s15], [sflag:$0x1] =	stream.indirect.gather [hbm4b:s4+s14], $0x80, s23, s14, $0xb8;
	[tilespmem:$0x18400] =	vst v63  }
0x4b: {  	_ =	swait.ge [sflag:s12], $0x4000  }
0x4c: {  	[sflag:s12] =	ssyncset.done $0x0  }
0x4d: {  	[sflag:s12] =	ssyncadd.s32 $0xFFFFC000  }
0x4e: {  	[spmem:s2] =	stream.indirect.scatter.add.f32 [tilespmem:s15], [sflag:$0x1], $0x80, s24, s14, $0xb8;
	[tilespmem:$0x18400] =	vst v63  }
0x4f: {  	_ =	swait.ge [sflag:s12], $0x4000  }
0x50: {  	[sflag:s12] =	ssyncset.done $0x0  }
0x51: {  	[sflag:s12] =	ssyncadd.s32 $0xFFFFC000  }
0x52: {  	[tilespmem:s15], [sflag:$0x1] =	stream.indirect.gather [hbm4b:s4+s14], $0x80, s26, s14, $0xb8;
	[tilespmem:$0x18400] =	vst v63  }
0x53: {  	_ =	swait.ge [sflag:s12], $0x4000  }
0x54: {  	[sflag:s12] =	ssyncset.done $0x0  }
0x55: {  	[sflag:s12] =	ssyncadd.s32 $0xFFFFC000  }
0x56: {  	[spmem:s2] =	stream.indirect.scatter.add.f32 [tilespmem:s15], [sflag:$0x1], $0x80, s28, s14, $0xb8;
	[tilespmem:$0x18400] =	vst v63  }
0x57: {  	_ =	swait.ge [sflag:s12], $0x4000  }
0x58: {  	[sflag:s12] =	ssyncset.done $0x0  }
0x59: {  	[sflag:s12] =	ssyncadd.s32 $0xFFFFC000  }
0x5a: {  	[tilespmem:s15], [sflag:$0x1] =	stream.indirect.gather [hbm4b:s4+s14], $0x80, s29, s14, $0xb8;
	[tilespmem:$0x18400] =	vst v63  }
0x5b: {  	_ =	swait.ge [sflag:s12], $0x4000  }
0x5c: {  	[sflag:s12] =	ssyncset.done $0x0  }
0x5d: {  	[sflag:s12] =	ssyncadd.s32 $0xFFFFC000  }
0x5e: {  	[spmem:s2] =	stream.indirect.scatter.add.f32 [tilespmem:s15], [sflag:$0x1], $0x80, s30, s14, $0xb8;
	[tilespmem:$0x18400] =	vst v63  }
0x5f: {  	_ =	swait.ge [sflag:s12], $0x4000  }
0x60: {  	s1 =	simm.s32 $0x80;
	s0 =	simm.s32 $0x100;
	[sflag:s12] =	ssyncset.done $0x0  }
.LBB2_2:
0x61: {  	s8 =	sadd.s32 s1, s10  }
0x62: {  	[sflag:s12] =	ssyncadd.s32 $0xFFFFC000;
	s25 =	smov.u32 s0;
	s7 =	sadd.s32 $0x80, s0  }
0x63: {  	[tilespmem:s3], [sflag:$0x1] =	stream.linear.gather [hbm4b:s8+s3], $0x400, $0x38;
	[tilespmem:$0x18400] =	vst v63  }
0x64: {  	p1 =	sne.s32 s0, $0x480;
	_ =	swait.ge [sflag:s12], $0x400  }
0x65: {  	[sflag:s12] =	ssyncset.done $0x0  }
0x66: {  	s0 =	sadd.s32 s1, s9;
	s1 =	smov.u32 s25;
	[sflag:s12] =	ssyncadd.s32 $0xFFFFFC00  }
0x67: {  	[tilespmem:s13], [sflag:$0x1] =	stream.linear.gather [hbm4b:s0+s3], $0x400, $0x38;
	[tilespmem:$0x18400] =	vst v63  }
0x68: {  	_ =	swait.ge [sflag:s12], $0x400  }
0x69: {  	[sflag:s12] =	ssyncset.done $0x0  }
0x6a: {  	[sflag:s12] =	ssyncadd.s32 $0xFFFFFC00  }
0x6b: {  	[tilespmem:s15], [sflag:$0x1] =	stream.indirect.gather [hbm4b:s4+s14], $0x80, s3, s14, $0xb8;
	[tilespmem:$0x18400] =	vst v63  }
0x6c: {  	_ =	swait.ge [sflag:s12], $0x4000  }
0x6d: {  	[sflag:s12] =	ssyncset.done $0x0  }
0x6e: {  	[sflag:s12] =	ssyncadd.s32 $0xFFFFC000  }
0x6f: {  	[spmem:s2] =	stream.indirect.scatter.add.f32 [tilespmem:s15], [sflag:$0x1], $0x80, s13, s14, $0xb8;
	[tilespmem:$0x18400] =	vst v63  }
0x70: {  	_ =	swait.ge [sflag:s12], $0x4000  }
0x71: {  	[sflag:s12] =	ssyncset.done $0x0  }
0x72: {  	[sflag:s12] =	ssyncadd.s32 $0xFFFFC000  }
0x73: {  	[tilespmem:s15], [sflag:$0x1] =	stream.indirect.gather [hbm4b:s4+s14], $0x80, s14, s14, $0xb8;
	[tilespmem:$0x18400] =	vst v63  }
0x74: {  	_ =	swait.ge [sflag:s12], $0x4000  }
0x75: {  	[sflag:s12] =	ssyncset.done $0x0  }
0x76: {  	[sflag:s12] =	ssyncadd.s32 $0xFFFFC000  }
0x77: {  	[spmem:s2] =	stream.indirect.scatter.add.f32 [tilespmem:s15], [sflag:$0x1], $0x80, s16, s14, $0xb8;
	[tilespmem:$0x18400] =	vst v63  }
0x78: {  	_ =	swait.ge [sflag:s12], $0x4000  }
0x79: {  	[sflag:s12] =	ssyncset.done $0x0  }
0x7a: {  	[sflag:s12] =	ssyncadd.s32 $0xFFFFC000  }
0x7b: {  	[tilespmem:s15], [sflag:$0x1] =	stream.indirect.gather [hbm4b:s4+s14], $0x80, s17, s14, $0xb8;
	[tilespmem:$0x18400] =	vst v63  }
0x7c: {  	_ =	swait.ge [sflag:s12], $0x4000  }
0x7d: {  	[sflag:s12] =	ssyncset.done $0x0  }
0x7e: {  	[sflag:s12] =	ssyncadd.s32 $0xFFFFC000  }
0x7f: {  	[spmem:s2] =	stream.indirect.scatter.add.f32 [tilespmem:s15], [sflag:$0x1], $0x80, s18, s14, $0xb8;
	[tilespmem:$0x18400] =	vst v63  }
0x80: {  	_ =	swait.ge [sflag:s12], $0x4000  }
0x81: {  	[sflag:s12] =	ssyncset.done $0x0  }
0x82: {  	[sflag:s12] =	ssyncadd.s32 $0xFFFFC000  }
0x83: {  	[tilespmem:s15], [sflag:$0x1] =	stream.indirect.gather [hbm4b:s4+s14], $0x80, s19, s14, $0xb8;
	[tilespmem:$0x18400] =	vst v63  }
0x84: {  	_ =	swait.ge [sflag:s12], $0x4000  }
0x85: {  	[sflag:s12] =	ssyncset.done $0x0  }
0x86: {  	[sflag:s12] =	ssyncadd.s32 $0xFFFFC000  }
0x87: {  	[spmem:s2] =	stream.indirect.scatter.add.f32 [tilespmem:s15], [sflag:$0x1], $0x80, s20, s14, $0xb8;
	[tilespmem:$0x18400] =	vst v63  }
0x88: {  	_ =	swait.ge [sflag:s12], $0x4000  }
0x89: {  	[sflag:s12] =	ssyncset.done $0x0  }
0x8a: {  	[sflag:s12] =	ssyncadd.s32 $0xFFFFC000  }
0x8b: {  	[tilespmem:s15], [sflag:$0x1] =	stream.indirect.gather [hbm4b:s4+s14], $0x80, s21, s14, $0xb8;
	[tilespmem:$0x18400] =	vst v63  }
0x8c: {  	_ =	swait.ge [sflag:s12], $0x4000  }
0x8d: {  	[sflag:s12] =	ssyncset.done $0x0  }
0x8e: {  	[sflag:s12] =	ssyncadd.s32 $0xFFFFC000  }
0x8f: {  	[spmem:s2] =	stream.indirect.scatter.add.f32 [tilespmem:s15], [sflag:$0x1], $0x80, s22, s14, $0xb8;
	[tilespmem:$0x18400] =	vst v63  }
0x90: {  	_ =	swait.ge [sflag:s12], $0x4000  }
0x91: {  	[sflag:s12] =	ssyncset.done $0x0  }
0x92: {  	[sflag:s12] =	ssyncadd.s32 $0xFFFFC000  }
0x93: {  	[tilespmem:s15], [sflag:$0x1] =	stream.indirect.gather [hbm4b:s4+s14], $0x80, s23, s14, $0xb8;
	[tilespmem:$0x18400] =	vst v63  }
0x94: {  	_ =	swait.ge [sflag:s12], $0x4000  }
0x95: {  	[sflag:s12] =	ssyncset.done $0x0  }
0x96: {  	[sflag:s12] =	ssyncadd.s32 $0xFFFFC000  }
0x97: {  	[spmem:s2] =	stream.indirect.scatter.add.f32 [tilespmem:s15], [sflag:$0x1], $0x80, s24, s14, $0xb8;
	[tilespmem:$0x18400] =	vst v63  }
0x98: {  	_ =	swait.ge [sflag:s12], $0x4000  }
0x99: {  	[sflag:s12] =	ssyncset.done $0x0  }
0x9a: {  	[sflag:s12] =	ssyncadd.s32 $0xFFFFC000  }
0x9b: {  	[tilespmem:s15], [sflag:$0x1] =	stream.indirect.gather [hbm4b:s4+s14], $0x80, s26, s14, $0xb8;
	[tilespmem:$0x18400] =	vst v63  }
0x9c: {  	_ =	swait.ge [sflag:s12], $0x4000  }
0x9d: {  	[sflag:s12] =	ssyncset.done $0x0  }
0x9e: {  	[sflag:s12] =	ssyncadd.s32 $0xFFFFC000  }
0x9f: {  	[spmem:s2] =	stream.indirect.scatter.add.f32 [tilespmem:s15], [sflag:$0x1], $0x80, s28, s14, $0xb8;
	[tilespmem:$0x18400] =	vst v63  }
0xa0: {  	_ =	swait.ge [sflag:s12], $0x4000  }
0xa1: {  	[sflag:s12] =	ssyncset.done $0x0  }
0xa2: {  	[sflag:s12] =	ssyncadd.s32 $0xFFFFC000  }
0xa3: {  	[tilespmem:s15], [sflag:$0x1] =	stream.indirect.gather [hbm4b:s4+s14], $0x80, s29, s14, $0xb8;
	[tilespmem:$0x18400] =	vst v63  }
0xa4: {  	_ =	swait.ge [sflag:s12], $0x4000  }
.Ltmp0:
0xa5: {  	[sflag:s12] =	ssyncset.done $0x0;
	(pc) =	sbr.rel @p1 .LBB2_2-.Ltmp0, $4  }
0xa6: {  	[sflag:s12] =	ssyncadd.s32 $0xFFFFC000  }
0xa7: {  	[spmem:s2] =	stream.indirect.scatter.add.f32 [tilespmem:s15], [sflag:$0x1], $0x80, s30, s14, $0xb8;
	[tilespmem:$0x18400] =	vst v63  }
0xa8: {  	_ =	swait.ge [sflag:s12], $0x4000  }
0xa9: {  	s0 =	smov.u32 s7;
	[sflag:s12] =	ssyncset.done $0x0  }
0xaa: {  	s0 =	sadd.s32 s1, s10;
	[sflag:s12] =	ssyncadd.s32 $0xFFFFC000  }
0xab: {  	[tilespmem:s3], [sflag:$0x1] =	stream.linear.gather [hbm4b:s0+s3], $0x400, $0x38;
	[tilespmem:$0x18400] =	vst v63  }
0xac: {  	_ =	swait.ge [sflag:s12], $0x400  }
0xad: {  	[sflag:s12] =	ssyncset.done $0x0  }
0xae: {  	s7 =	sadd.s32 s1, s9;
	[sflag:s12] =	ssyncadd.s32 $0xFFFFFC00  }
0xaf: {  	[tilespmem:s13], [sflag:$0x1] =	stream.linear.gather [hbm4b:s7+s3], $0x400, $0x38;
	[tilespmem:$0x18400] =	vst v63  }
0xb0: {  	_ =	swait.ge [sflag:s12], $0x400  }
0xb1: {  	[sflag:s12] =	ssyncset.done $0x0  }
0xb2: {  	[sflag:s12] =	ssyncadd.s32 $0xFFFFFC00  }
0xb3: {  	[tilespmem:s15], [sflag:$0x1] =	stream.indirect.gather [hbm4b:s4+s14], $0x80, s3, s14, $0xb8;
	[tilespmem:$0x18400] =	vst v63  }
0xb4: {  	_ =	swait.ge [sflag:s12], $0x4000  }
0xb5: {  	[sflag:s12] =	ssyncset.done $0x0  }
0xb6: {  	[sflag:s12] =	ssyncadd.s32 $0xFFFFC000  }
0xb7: {  	[spmem:s2] =	stream.indirect.scatter.add.f32 [tilespmem:s15], [sflag:$0x1], $0x80, s13, s14, $0xb8;
	[tilespmem:$0x18400] =	vst v63  }
0xb8: {  	_ =	swait.ge [sflag:s12], $0x4000  }
0xb9: {  	[sflag:s12] =	ssyncset.done $0x0  }
0xba: {  	[sflag:s12] =	ssyncadd.s32 $0xFFFFC000  }
0xbb: {  	[tilespmem:s15], [sflag:$0x1] =	stream.indirect.gather [hbm4b:s4+s14], $0x80, s14, s14, $0xb8;
	[tilespmem:$0x18400] =	vst v63  }
0xbc: {  	_ =	swait.ge [sflag:s12], $0x4000  }
0xbd: {  	[sflag:s12] =	ssyncset.done $0x0  }
0xbe: {  	[sflag:s12] =	ssyncadd.s32 $0xFFFFC000  }
0xbf: {  	[spmem:s2] =	stream.indirect.scatter.add.f32 [tilespmem:s15], [sflag:$0x1], $0x80, s16, s14, $0xb8;
	[tilespmem:$0x18400] =	vst v63  }
0xc0: {  	_ =	swait.ge [sflag:s12], $0x4000  }
0xc1: {  	[sflag:s12] =	ssyncset.done $0x0  }
0xc2: {  	[sflag:s12] =	ssyncadd.s32 $0xFFFFC000  }
0xc3: {  	[tilespmem:s15], [sflag:$0x1] =	stream.indirect.gather [hbm4b:s4+s14], $0x80, s17, s14, $0xb8;
	[tilespmem:$0x18400] =	vst v63  }
0xc4: {  	_ =	swait.ge [sflag:s12], $0x4000  }
0xc5: {  	[sflag:s12] =	ssyncset.done $0x0  }
0xc6: {  	[sflag:s12] =	ssyncadd.s32 $0xFFFFC000  }
0xc7: {  	[spmem:s2] =	stream.indirect.scatter.add.f32 [tilespmem:s15], [sflag:$0x1], $0x80, s18, s14, $0xb8;
	[tilespmem:$0x18400] =	vst v63  }
0xc8: {  	_ =	swait.ge [sflag:s12], $0x4000  }
0xc9: {  	[sflag:s12] =	ssyncset.done $0x0  }
0xca: {  	[sflag:s12] =	ssyncadd.s32 $0xFFFFC000  }
0xcb: {  	[tilespmem:s15], [sflag:$0x1] =	stream.indirect.gather [hbm4b:s4+s14], $0x80, s19, s14, $0xb8;
	[tilespmem:$0x18400] =	vst v63  }
0xcc: {  	_ =	swait.ge [sflag:s12], $0x4000  }
0xcd: {  	[sflag:s12] =	ssyncset.done $0x0  }
0xce: {  	[sflag:s12] =	ssyncadd.s32 $0xFFFFC000  }
0xcf: {  	[spmem:s2] =	stream.indirect.scatter.add.f32 [tilespmem:s15], [sflag:$0x1], $0x80, s20, s14, $0xb8;
	[tilespmem:$0x18400] =	vst v63  }
0xd0: {  	_ =	swait.ge [sflag:s12], $0x4000  }
0xd1: {  	[sflag:s12] =	ssyncset.done $0x0  }
0xd2: {  	[sflag:s12] =	ssyncadd.s32 $0xFFFFC000  }
0xd3: {  	[tilespmem:s15], [sflag:$0x1] =	stream.indirect.gather [hbm4b:s4+s14], $0x80, s21, s14, $0xb8;
	[tilespmem:$0x18400] =	vst v63  }
0xd4: {  	_ =	swait.ge [sflag:s12], $0x4000  }
0xd5: {  	[sflag:s12] =	ssyncset.done $0x0  }
0xd6: {  	[sflag:s12] =	ssyncadd.s32 $0xFFFFC000  }
0xd7: {  	[spmem:s2] =	stream.indirect.scatter.add.f32 [tilespmem:s15], [sflag:$0x1], $0x80, s22, s14, $0xb8;
	[tilespmem:$0x18400] =	vst v63  }
0xd8: {  	_ =	swait.ge [sflag:s12], $0x4000  }
0xd9: {  	[sflag:s12] =	ssyncset.done $0x0  }
0xda: {  	[sflag:s12] =	ssyncadd.s32 $0xFFFFC000  }
0xdb: {  	[tilespmem:s15], [sflag:$0x1] =	stream.indirect.gather [hbm4b:s4+s14], $0x80, s23, s14, $0xb8;
	[tilespmem:$0x18400] =	vst v63  }
0xdc: {  	_ =	swait.ge [sflag:s12], $0x4000  }
0xdd: {  	[sflag:s12] =	ssyncset.done $0x0  }
0xde: {  	[sflag:s12] =	ssyncadd.s32 $0xFFFFC000  }
0xdf: {  	[spmem:s2] =	stream.indirect.scatter.add.f32 [tilespmem:s15], [sflag:$0x1], $0x80, s24, s14, $0xb8;
	[tilespmem:$0x18400] =	vst v63  }
0xe0: {  	_ =	swait.ge [sflag:s12], $0x4000  }
0xe1: {  	[sflag:s12] =	ssyncset.done $0x0  }
0xe2: {  	[sflag:s12] =	ssyncadd.s32 $0xFFFFC000  }
0xe3: {  	[tilespmem:s15], [sflag:$0x1] =	stream.indirect.gather [hbm4b:s4+s14], $0x80, s26, s14, $0xb8;
	[tilespmem:$0x18400] =	vst v63  }
0xe4: {  	_ =	swait.ge [sflag:s12], $0x4000  }
0xe5: {  	[sflag:s12] =	ssyncset.done $0x0  }
0xe6: {  	[sflag:s12] =	ssyncadd.s32 $0xFFFFC000  }
0xe7: {  	[spmem:s2] =	stream.indirect.scatter.add.f32 [tilespmem:s15], [sflag:$0x1], $0x80, s28, s14, $0xb8;
	[tilespmem:$0x18400] =	vst v63  }
0xe8: {  	_ =	swait.ge [sflag:s12], $0x4000  }
0xe9: {  	[sflag:s12] =	ssyncset.done $0x0  }
0xea: {  	[sflag:s12] =	ssyncadd.s32 $0xFFFFC000  }
0xeb: {  	[tilespmem:s15], [sflag:$0x1] =	stream.indirect.gather [hbm4b:s4+s14], $0x80, s29, s14, $0xb8;
	[tilespmem:$0x18400] =	vst v63  }
0xec: {  	_ =	swait.ge [sflag:s12], $0x4000  }
0xed: {  	[sflag:s12] =	ssyncset.done $0x0  }
0xee: {  	[sflag:s12] =	ssyncadd.s32 $0xFFFFC000  }
0xef: {  	[spmem:s2] =	stream.indirect.scatter.add.f32 [tilespmem:s15], [sflag:$0x1], $0x80, s30, s14, $0xb8;
	[tilespmem:$0x18400] =	vst v63  }
0xf0: {  	_ =	swait.ge [sflag:s12], $0x4000  }
0xf1: {  	[sflag:s12] =	ssyncset.done $0x0  }
0xf2: {  	[sflag:s12] =	ssyncadd.s32 $0xFFFFC000  }
0xf3: {  	[bflag:$0x0] =	sbarrier.arrive $0xFFFF  }
0xf4: {  	[bflag:$0x0] =	sbarrier.arrive $0xFFFF  }
0xf5: {  	s0 =	rddreg [dreg:$0x5]  }
0xf6: {  	[spmem:s0], [sflag:s6] =	dma.local @!p0 [hbm:s5], $0x80  }
0xf7: {  	s0 =	simm.s32 @!p0 $0x1  }
0xf8: {  	_ =	swait.ge @!p0 [sflag:s0], $0x80  }
0xf9: {  	[sflag:s0] =	ssyncset.done @!p0 $0x0  }
0xfa: {  	[sflag:s0] =	ssyncadd.s32 @!p0 $0xFFFFFF80  }
0xfb: {  	[bflag:$0x0] =	sbarrier.arrive $0xFFFF  }
0xfc: {  	s8 =	rddreg [dreg:$0x3]  }
0xfd: {  	[hbm:s8], [sflag:s6] =	dma.local [spmem:s11], $0x2780  }
0xfe: {  	_ =	swait.ge [sflag:s12], $0x2780  }
0xff: {  	s31 =	sadd.s32 $0x1, s31;
	s25 =	rddreg [dreg:$0x4]  }
0x100: {  	p1 =	sne.s32 s31, s25  }
.Ltmp1:
0x101: {  	_ = 	snop;
	(pc) =	sbr.rel @p1 .LBB2_1-.Ltmp1, $3  }
0x102: {  	_ =	sdelay $0x1  }
0x103: {  	[sflag:s12] =	ssyncset.done $0x0  }
0x104: {  	[sflag:s12] =	ssyncadd.s32 $0xFFFFD880  }
0x105: {  	_ =	sfence.sel $0x180000  }
0x106: {  	[bflag:$0x0] =	sbarrier.arrive $0xFFFF  }
0x107: {  	_ =	strace $0x9000004A  }
0x108: {  	s0 =	stileid.u32;
	[bflag:$0x2] =	sbarrier.arrive $0xFFFF  }
0x109: {  	p0 =	sne.s32 s0, $0x0;
	s0 =	rddreg [dreg:$0x2]  }
0x10a: {  	s0 =	sadd.s32 @!p0 $0x100000, s0  }
0x10b: {  	[sflag:s0] =	ssyncadd.tile.s32 @!p0 $0x1;
	_ =	shalt  }
.Lfunc_end2:
_tile_overlayer_lowered:
.L_overlay_start_2:
0x10c: {  	(tag) =	ssettag $0x2  }
0x10d: {  	s0 =	rddreg [dreg:$0x0];
	s2 =	stileid.u32  }
0x10e: {  	s1 =	rddreg [dreg:$0x1];
	p0 =	sne.s32 s2, $0x0  }
0x10f: {  	s3 =	rddreg [dreg:$0x2];
	[bflag:$0x3] =	sbarrier.arrive $0xFFFF;
	s2 =	simm.s32 @!p0 $0x1C01  }
0x110: {  	[timem:s3], [sflag:s2] =	dma.local @!p0 [hbm:s0], s1  }
0x111: {  	s0 =	simm.s32 @!p0 $0x1  }
0x112: {  	_ =	swait.ge @!p0 [sflag:s0], s1  }
0x113: {  	s1 =	ssub.s32 @!p0 $0x0, s1;
	[sflag:s0] =	ssyncset.done @!p0 $0x0  }
0x114: {  	[sflag:s0] =	ssyncadd.s32 @!p0 s1  }
0x115: {  	[bflag:$0x3] =	sbarrier.arrive $0xFFFF  }
0x116: {  	_ =	shalt  }

// kernel: kernel.14.cloned.1.call-start
scs
__scs_entry_jumppad:
0x0: {  	(pc) =	sbr.rel $0x88, $3  }
0x1: {  	(tag) =	ssettag $0x0;
	lr =	simm.s32 $0x1  }
0x2: {  	[smem:$0x3F9A] =	sst lr;
	_ =	strace $0xD0000000  }
0x3: {  	_ = 	snop  }
0x4: {  	_ = 	snop  }
0x5: {  	_ = 	snop  }
0x6: {  	_ = 	snop  }
0x7: {  	_ = 	snop  }
__scs_overlays_trampoline_lowered:
0x8: {  	[smem:$0x3FA9] =	sst s0  }
0x9: {  	[smem:$0x3FAA] =	sst s1  }
0xa: {  	[smem:$0x3FAB] =	sst s2  }
0xb: {  	[smem:$0x3FAC] =	sst s3  }
0xc: {  	[smem:$0x3FAD] =	sst s4  }
0xd: {  	[smem:$0x3FAE] =	sst s5  }
0xe: {  	[smem:$0x3FAF] =	sst s6  }
0xf: {  	[smem:$0x3FB0] =	sst s7  }
0x10: {  	[smem:$0x3FB1] =	sst s8  }
0x11: {  	[smem:$0x3FB2] =	sst s9;
	s0 =	simm.s32 @!p0 $0x0  }
0x12: {  	s1 =	sld [smem:$0x3F98];
	s0 =	simm.s32 @p0 $0x1  }
0x13: {  	[smem:$0x3FB3] =	sst s0;
	s0 =	simm.s32 @!p1 $0x0  }
0x14: {  	s2 =	sld [smem:$0x3F97];
	s0 =	simm.s32 @p1 $0x1  }
0x15: {  	[smem:$0x3FB4] =	sst s0;
	s0 =	simm.s32 @!p2 $0x0  }
0x16: {  	s3 =	sld [smem:$0x3FDB];
	s0 =	simm.s32 @p2 $0x1  }
0x17: {  	s4 =	simm.s32 $0x1BF5;
	[smem:$0x3FB6] =	sst s0  }
0x18: {  	s0 =	sld [smem:$0x3F99];
	_ =	swait.ge [sflag:s4], $0x0  }
0x19: {  	s7 =	sld [smem:$0x3F9A]  }
0x1a: {  	s8 =	sadd.s32 $0xFFFFE003, lr  }
0x1b: {  	s9 =	sadd.s32 $0xFFFFFEF7, lr;
	s5 =	simm.s32 $0xFFFFFFFF;
	p2 =	slt.u32 s8, $0xFFFFF086  }
0x1c: {  	p1 =	slt.u32 s9, $0xF7A;
	s5 =	simm.s32 @!p2 $0x0  }
0x1d: {  	s5 =	simm.s32 @p1 $0x1;
	p0 =	seq.s32 s7, s2  }
0x1e: {  	s7 =	smul.u32 @!p0 $0xF7A, s2;
	p2 =	seq.s32 @!p0 s5, $0x0  }
0x1f: {  	s9 =	smul.u32 $0xF7A, s1;
	s8 =	simm.s32 @!p0 $0x1BF5;
	p2 =	por !p2, p0  }
0x20: {  	[sflag:s8] =	ssyncset.s32 @!p0 $0xFFFFF086;
	s6 =	sadd.s32 @!p0 s3, s7;
	s7 =	simm.s32 @!p0 $0x108  }
0x21: {  	s3 =	sadd.s32 s3, s9;
	s6 =	sadd.s32 @!p0 $0x88, s6;
	s7 =	simm.s32 @p2 $0x1082  }
0x22: {  	[simem:s7], [sflag:s8] =	dma.local @!p0 [hbm:s6], $0xF7A  }
0x23: {  	s9 =	sor.u32 $0xD0000000, s2;
	s6 =	simm.s32 $0x108;
	_ =	swait.ge @!p0 [sflag:s8], $0x0  }
0x24: {  	s3 =	sadd.s32 $0x88, s3;
	s6 =	simm.s32 @!p1 $0x1082;
	[sflag:s4] =	ssyncset.s32 $0xFFFFF086  }
0x25: {  	[simem:s6], [sflag:s4] =	dma.local [hbm:s3], $0xF7A  }
0x26: {  	[smem:$0x3F9A] =	sst s1;
	(tag) =	ssettag s2;
	_ =	strace s9  }
0x27: {  	s1 =	sld [smem:$0x3FAA]  }
0x28: {  	s2 =	sld [smem:$0x3FAB]  }
0x29: {  	s4 =	sld [smem:$0x3FAD]  }
0x2a: {  	p0 =	seq.s32 s5, $0x0;
	s5 =	sld [smem:$0x3FAE]  }
0x2b: {  	s6 =	sld [smem:$0x3FAF]  }
0x2c: {  	s7 =	sld [smem:$0x3FB0]  }
0x2d: {  	s3 =	simm.s32 $0x108;
	s8 =	sld [smem:$0x3FB1]  }
0x2e: {  	s3 =	simm.s32 @!p0 $0x1082;
	s9 =	sld [smem:$0x3FB2]  }
0x2f: {  	lr =	sadd.s32 s0, s3;
	s0 =	sld [smem:$0x3FA9]  }
0x30: {  	s3 =	sld [smem:$0x3FAC]  }
0x31: {  	[smem:$0x3FB5] =	sst s10  }
0x32: {  	s10 =	sld [smem:$0x3FB3];
	_ =	sdelay $0x3  }
0x33: {  	p0 =	seq.s32 s10, $0x1;
	s10 =	sld [smem:$0x3FB5];
	_ =	sdelay $0x3  }
0x34: {  	[smem:$0x3FB5] =	sst s10  }
0x35: {  	s10 =	sld [smem:$0x3FB4];
	_ =	sdelay $0x3  }
0x36: {  	p1 =	seq.s32 s10, $0x1;
	s10 =	sld [smem:$0x3FB5];
	_ =	sdelay $0x3  }
0x37: {  	[smem:$0x3FB5] =	sst s10  }
0x38: {  	s10 =	sld [smem:$0x3FB6]  }
0x39: {  	_ = 	snop;
	(pc) =	sbr.ind lr, $3  }
0x3a: {  	_ = 	snop  }
0x3b: {  	_ = 	snop  }
0x3c: {  	p2 =	seq.s32 s10, $0x1;
	s10 =	sld [smem:$0x3FB5]  }
0x3d: {  	_ =	shalt  }
0x3e: {  	_ =	shalt  }
0x3f: {  	_ =	shalt  }
0x40: {  	_ =	shalt  }
0x41: {  	_ =	shalt  }
0x42: {  	_ =	shalt  }
0x43: {  	_ =	shalt  }
0x44: {  	_ =	shalt  }
0x45: {  	_ =	shalt  }
0x46: {  	_ =	shalt  }
0x47: {  	_ =	shalt  }
0x48: {  	_ =	shalt  }
0x49: {  	_ =	shalt  }
0x4a: {  	_ =	shalt  }
0x4b: {  	_ =	shalt  }
0x4c: {  	_ =	shalt  }
0x4d: {  	_ =	shalt  }
0x4e: {  	_ =	shalt  }
0x4f: {  	_ =	shalt  }
0x50: {  	_ =	shalt  }
0x51: {  	_ =	shalt  }
0x52: {  	_ =	shalt  }
0x53: {  	_ =	shalt  }
0x54: {  	_ =	shalt  }
0x55: {  	_ =	shalt  }
0x56: {  	_ =	shalt  }
0x57: {  	_ =	shalt  }
0x58: {  	_ =	shalt  }
0x59: {  	_ =	shalt  }
0x5a: {  	_ =	shalt  }
0x5b: {  	_ =	shalt  }
0x5c: {  	_ =	shalt  }
0x5d: {  	_ =	shalt  }
0x5e: {  	_ =	shalt  }
0x5f: {  	_ =	shalt  }
0x60: {  	_ =	shalt  }
0x61: {  	_ =	shalt  }
0x62: {  	_ =	shalt  }
0x63: {  	_ =	shalt  }
0x64: {  	_ =	shalt  }
0x65: {  	_ =	shalt  }
0x66: {  	_ =	shalt  }
0x67: {  	_ =	shalt  }
0x68: {  	_ =	shalt  }
0x69: {  	_ =	shalt  }
0x6a: {  	_ =	shalt  }
0x6b: {  	_ =	shalt  }
0x6c: {  	_ =	shalt  }
0x6d: {  	_ =	shalt  }
0x6e: {  	_ =	shalt  }
0x6f: {  	_ =	shalt  }
0x70: {  	_ =	shalt  }
0x71: {  	_ =	shalt  }
0x72: {  	_ =	shalt  }
0x73: {  	_ =	shalt  }
0x74: {  	_ =	shalt  }
0x75: {  	_ =	shalt  }
0x76: {  	_ =	shalt  }
0x77: {  	_ =	shalt  }
0x78: {  	_ =	shalt  }
0x79: {  	_ =	shalt  }
0x7a: {  	_ =	shalt  }
0x7b: {  	_ =	shalt  }
0x7c: {  	_ =	shalt  }
0x7d: {  	_ =	shalt  }
0x7e: {  	_ =	shalt  }
0x7f: {  	_ =	shalt  }
0x80: {  	_ =	shalt  }
0x81: {  	_ =	shalt  }
0x82: {  	_ =	shalt  }
0x83: {  	_ =	shalt  }
0x84: {  	_ =	shalt  }
0x85: {  	_ =	shalt  }
0x86: {  	_ =	shalt  }
0x87: {  	_ =	shalt  }
.Lfunc_end0:
.L_simem_size_0:
called_computation.2_lowered:
.L_overlay_start_0:
0x88: {  	s2 =	sld [smem:$0x3FD9]  }
0x89: {  	s3 =	sld [smem:$0x3FFE];
	_ =	sdelay $0x1  }
0x8a: {  	s1 =	srdreg.scid  }
0x8b: {  	s0 =	sand.u32 $0x1, s1  }
0x8c: {  	s16 =	sshll.u32 s0, $0xA;
	s2 =	sadd.s32 s3, s2  }
0x8d: {  	s2 =	sadd.s32 s2, s16  }
0x8e: {  	[smem:$0x3FC1] =	sst s2  }
0x8f: {  	_ = 	snop  }
0x90: {  	(tm) =	ssettm $0x1  }
0x91: {  	s17 =	sld [smem:$0x3FFB];
	_ =	sdelay $0x3  }
0x92: {  	_ =	strace s17  }
0x93: {  	s2 =	sld [smem:$0x3FFC];
	_ =	sdelay $0x3  }
0x94: {  	_ =	strace s2  }
0x95: {  	s2 =	sld [smem:$0x3FFD];
	_ =	sdelay $0x3  }
0x96: {  	_ =	strace s2  }
0x97: {  	_ =	strace $0x8FFFFFFF  }
0x98: {  	s18 =	sld [smem:$0x3FDB];
	_ =	sdelay $0x1  }
0x99: {  	s19 =	simm.s32 $_scs_section_size  }
0x9a: {  	s4 =	simm.s32 $_size__tile_overlayer_lowered;
	s5 =	simm.s32 $_tile_overlayer_lowered  }
0x9b: {  	s22 =	simm.s32 $0x1BFF;
	s21 =	sshll.u32 s5, $0x1;
	s2 =	sadd.s32 s19, s18  }
0x9c: {  	s6 =	simm.s32 $0x0;
	s20 =	sshll.u32 s4, $0x1;
	s4 =	sadd.s32 s21, s2  }
0x9d: {  	[timem:s6], [sflag:s22] =	dma.local [hbm:s4], s20  }
0x9e: {  	_ =	swait.ge [sflag:s22], s20  }
0x9f: {  	s3 =	ssub.s32 $0x0, s20;
	[sflag:s22] =	ssyncset.done $0x0  }
0xa0: {  	[sflag:s22] =	ssyncadd.s32 s3;
	_ =	sdelay $0x1  }
0xa1: {  	s23 =	simm.s32 $0x1B8B  }
0xa2: {  	_ =	swait.ge [sflag:s23], $0x1  }
0xa3: {  	[sflag:s23] =	ssyncset.done $0x0  }
0xa4: {  	s25 =	simm.s32 $0x1B8E;
	s24 =	sld [smem:$0x3FFE];
	[sflag:s23] =	ssyncadd.s32 $0xFFFFFFFF  }
0xa5: {  	s26 =	simm.s32 $execute0_lowered;
	[smem:$0x3FD2] =	sst s25  }
0xa6: {  	s4 =	sshll.u32 s26, $0x1;
	_ =	strace $0x8000004C;
	[dreg:$0x1] =	wrdreg $0xFFFFFFFF  }
0xa7: {  	s28 =	simm.s32 $_size_execute0_lowered;
	s2 =	sadd.s32 s2, s4;
	[dreg:$0x0] =	wrdreg $0x0  }
0xa8: {  	s4 =	sshll.u32 s28, $0x1;
	[dreg:$0x2] =	wrdreg s2  }
0xa9: {  	[dreg:$0x3] =	wrdreg s4  }
0xaa: {  	[dreg:$0x4] =	wrdreg $0xC0  }
0xab: {  	_ =	task [dreg:s6], $0x5FFFF  }
0xac: {  	[dreg:$0x1] =	wrdreg $0xFFFFFFFF  }
0xad: {  	[dreg:$0x0] =	wrdreg $0x60  }
0xae: {  	[dreg:$0x2] =	wrdreg s24  }
0xaf: {  	[dreg:$0x3] =	wrdreg $0x48000  }
0xb0: {  	[dreg:$0x4] =	wrdreg $0x9  }
0xb1: {  	_ =	task.clear_ibuf [dreg:s6], $0x5FFFF;
	_ =	strace $0x9000004C  }
0xb2: {  	s29 =	simm.s32 $0x9;
	_ =	strace $0x8000004E  }
0xb3: {  	_ =	swait.ge [sflag:s29], $0x1  }
0xb4: {  	[sflag:s29] =	ssyncadd.s32 $0xFFFFFFFF  }
0xb5: {  	_ =	strace $0x9000004E  }
0xb6: {  	_ =	sfence  }
0xb7: {  	s30 =	sld [smem:$0x0];
	_ =	sdelay $0x2  }
0xb8: {  	s31 =	sshll.u32 s1, $0xD;
	s1 =	sshrl.u32 s1, $0x2  }
0xb9: {  	s3 =	sand.u32 $0x4000, s31;
	s1 =	sadd.s32 s1, s30  }
0xba: {  	s0 =	sor.u32 s3, s0;
	s1 =	sshll.u32 s1, $0x11  }
0xbb: {  	s0 =	sor.u32 s1, s0  }
0xbc: {  	s0 =	sadd.s32 $0x8F2B, s0  }
0xbd: {  	[sflag:s0] =	ssyncadd.remote.s32 $0x1  }
0xbe: {  	_ =	sfence.sel $0xFFFF  }
0xbf: {  	[dreg:$0x0] =	wrdreg $0xFFFFFFFF;
	(pc) =	sbr.abs _section_cstart, $3  }
0xc0: {  	[dreg:$0x1] =	wrdreg $0xFFFFFFFF  }
0xc1: {  	_ =	task.clear_ibuf [dreg:s6], $0x2FFFF;
	_ =	strace $0x9FFFFFFF  }
0xc2: {  	(tm) =	ssettm $0x7FFFFFFF  }
0xc3: {  	_ =	shalt  }
tec
execute0_lowered:
.L_overlay_start_1:
0x0: {  	(tag) =	ssettag $0x1  }
0x1: {  	s0 =	srdreg.scid  }
0x2: {  	s1 =	rddreg [dreg:$0x0];
	s8 =	stileid.u32  }
0x3: {  	s2 =	rddreg [dreg:$0x1];
	s3 =	simm.s32 $0x0;
	s12 =	simm.s32 $0x1  }
0x4: {  	s13 =	simm.s32 $0x400;
	s14 =	simm.s32 $0x80;
	s15 =	simm.s32 $0x800  }
0x5: {  	s16 =	simm.s32 $0x480;
	s17 =	simm.s32 $0x100;
	s18 =	simm.s32 $0x500  }
0x6: {  	s19 =	simm.s32 $0x180;
	s20 =	simm.s32 $0x580;
	s21 =	simm.s32 $0x200  }
0x7: {  	s22 =	simm.s32 $0x600;
	s23 =	simm.s32 $0x280;
	s5 =	smul.u32 $0x2800, s8  }
0x8: {  	s28 =	simm.s32 $0x700;
	s29 =	simm.s32 $0x380;
	s7 =	smul.u32 $0x13C00, s8  }
0x9: {  	s30 =	simm.s32 $0x780;
	s0 =	sand.u32 $0x1, s0;
	s24 =	smul.u32 $0x4F000, s8  }
0xa: {  	s31 =	simm.s32 $0x0;
	[smem:$0x7FF] =	sst s3;
	s4 =	smul.u32 $0x28000, s0  }
0xb: {  	s26 =	sshll.u32 s8, $0x6;
	s6 =	smul.u32 $0x13C000, s0;
	s0 =	ssub.s32 $0x2, s0  }
0xc: {  	p0 =	sne.s32 s8, $0xF;
	_ =	strace $0x8000004D;
	s25 =	sshrl.u32 s0, $0x1  }
0xd: {  	s5 =	sadd.s32 s5, s4;
	s4 =	sadd.s32 $0xE800, s1;
	s6 =	sadd.s32 s7, s6  }
0xe: {  	s7 =	sshrl.u32 s24, $0x2;
	s0 =	ssub.s32 s0, s25;
	s25 =	sadd.s32 $0x138800, s2  }
0xf: {  	s24 =	simm.s32 $0x680;
	s5 =	sshrl.u32 s5, $0x3;
	s6 =	sshrl.u32 s6, $0x3  }
0x10: {  	s7 =	sadd.s32 s7, s2;
	s0 =	smax.u32 s0, $0x1;
	s10 =	sadd.s32 s5, s1  }
0x11: {  	s5 =	sadd.s32 $0xC000, s1;
	s1 =	sadd.s32 s6, s1;
	s6 =	sor.u32 $0x1C01, s26  }
0x12: {  	[dreg:$0x4] =	wrdreg s0;
	s11 =	sshrl.u32 s7, $0x3;
	s0 =	sshrl.u32 @!p0 s25, $0x3  }
0x13: {  	s26 =	simm.s32 $0x300;
	s1 =	sadd.s32 $0x68000, s1;
	[dreg:$0x5] =	wrdreg s0  }
0x14: {  	s9 =	sadd.s32 $0x2000, s10;
	s10 =	sadd.s32 $0x5E000, s10;
	[dreg:$0x3] =	wrdreg s1  }
.LBB2_1:
0x15: {  	[spmem:s11], [sflag:s6] =	dma.local [hbm:s5], $0x2780  }
0x16: {  	_ =	swait.ge [sflag:s12], $0x2780  }
0x17: {  	[sflag:s12] =	ssyncset.done $0x0  }
0x18: {  	[sflag:s12] =	ssyncadd.s32 $0xFFFFD880  }
0x19: {  	s0 =	sadd.s32 $0x0, s10;
	[bflag:$0x0] =	sbarrier.arrive $0xFFFF  }
0x1a: {  	[tilespmem:s3], [sflag:$0x1] =	stream.linear.gather [hbm4b:s0+s3], $0x400, $0x38;
	[tilespmem:$0x18400] =	vst v63  }
0x1b: {  	_ =	swait.ge [sflag:s12], $0x400  }
0x1c: {  	[sflag:s12] =	ssyncset.done $0x0  }
0x1d: {  	s25 =	sadd.s32 $0x0, s9;
	[sflag:s12] =	ssyncadd.s32 $0xFFFFFC00  }
0x1e: {  	[tilespmem:s13], [sflag:$0x1] =	stream.linear.gather [hbm4b:s25+s3], $0x400, $0x38;
	[tilespmem:$0x18400] =	vst v63  }
0x1f: {  	_ =	swait.ge [sflag:s12], $0x400  }
0x20: {  	[sflag:s12] =	ssyncset.done $0x0  }
0x21: {  	[sflag:s12] =	ssyncadd.s32 $0xFFFFFC00  }
0x22: {  	[tilespmem:s15], [sflag:$0x1] =	stream.indirect.gather [hbm4b:s4+s14], $0x80, s3, s14, $0xb8;
	[tilespmem:$0x18400] =	vst v63  }
0x23: {  	_ =	swait.ge [sflag:s12], $0x4000  }
0x24: {  	[sflag:s12] =	ssyncset.done $0x0  }
0x25: {  	[sflag:s12] =	ssyncadd.s32 $0xFFFFC000  }
0x26: {  	[spmem:s2] =	stream.indirect.scatter.add.f32 [tilespmem:s15], [sflag:$0x1], $0x80, s13, s14, $0xb8;
	[tilespmem:$0x18400] =	vst v63  }
0x27: {  	_ =	swait.ge [sflag:s12], $0x4000  }
0x28: {  	[sflag:s12] =	ssyncset.done $0x0  }
0x29: {  	[sflag:s12] =	ssyncadd.s32 $0xFFFFC000  }
0x2a: {  	[tilespmem:s15], [sflag:$0x1] =	stream.indirect.gather [hbm4b:s4+s14], $0x80, s14, s14, $0xb8;
	[tilespmem:$0x18400] =	vst v63  }
0x2b: {  	_ =	swait.ge [sflag:s12], $0x4000  }
0x2c: {  	[sflag:s12] =	ssyncset.done $0x0  }
0x2d: {  	[sflag:s12] =	ssyncadd.s32 $0xFFFFC000  }
0x2e: {  	[spmem:s2] =	stream.indirect.scatter.add.f32 [tilespmem:s15], [sflag:$0x1], $0x80, s16, s14, $0xb8;
	[tilespmem:$0x18400] =	vst v63  }
0x2f: {  	_ =	swait.ge [sflag:s12], $0x4000  }
0x30: {  	[sflag:s12] =	ssyncset.done $0x0  }
0x31: {  	[sflag:s12] =	ssyncadd.s32 $0xFFFFC000  }
0x32: {  	[tilespmem:s15], [sflag:$0x1] =	stream.indirect.gather [hbm4b:s4+s14], $0x80, s17, s14, $0xb8;
	[tilespmem:$0x18400] =	vst v63  }
0x33: {  	_ =	swait.ge [sflag:s12], $0x4000  }
0x34: {  	[sflag:s12] =	ssyncset.done $0x0  }
0x35: {  	[sflag:s12] =	ssyncadd.s32 $0xFFFFC000  }
0x36: {  	[spmem:s2] =	stream.indirect.scatter.add.f32 [tilespmem:s15], [sflag:$0x1], $0x80, s18, s14, $0xb8;
	[tilespmem:$0x18400] =	vst v63  }
0x37: {  	_ =	swait.ge [sflag:s12], $0x4000  }
0x38: {  	[sflag:s12] =	ssyncset.done $0x0  }
0x39: {  	[sflag:s12] =	ssyncadd.s32 $0xFFFFC000  }
0x3a: {  	[tilespmem:s15], [sflag:$0x1] =	stream.indirect.gather [hbm4b:s4+s14], $0x80, s19, s14, $0xb8;
	[tilespmem:$0x18400] =	vst v63  }
0x3b: {  	_ =	swait.ge [sflag:s12], $0x4000  }
0x3c: {  	[sflag:s12] =	ssyncset.done $0x0  }
0x3d: {  	[sflag:s12] =	ssyncadd.s32 $0xFFFFC000  }
0x3e: {  	[spmem:s2] =	stream.indirect.scatter.add.f32 [tilespmem:s15], [sflag:$0x1], $0x80, s20, s14, $0xb8;
	[tilespmem:$0x18400] =	vst v63  }
0x3f: {  	_ =	swait.ge [sflag:s12], $0x4000  }
0x40: {  	[sflag:s12] =	ssyncset.done $0x0  }
0x41: {  	[sflag:s12] =	ssyncadd.s32 $0xFFFFC000  }
0x42: {  	[tilespmem:s15], [sflag:$0x1] =	stream.indirect.gather [hbm4b:s4+s14], $0x80, s21, s14, $0xb8;
	[tilespmem:$0x18400] =	vst v63  }
0x43: {  	_ =	swait.ge [sflag:s12], $0x4000  }
0x44: {  	[sflag:s12] =	ssyncset.done $0x0  }
0x45: {  	[sflag:s12] =	ssyncadd.s32 $0xFFFFC000  }
0x46: {  	[spmem:s2] =	stream.indirect.scatter.add.f32 [tilespmem:s15], [sflag:$0x1], $0x80, s22, s14, $0xb8;
	[tilespmem:$0x18400] =	vst v63  }
0x47: {  	_ =	swait.ge [sflag:s12], $0x4000  }
0x48: {  	[sflag:s12] =	ssyncset.done $0x0  }
0x49: {  	[sflag:s12] =	ssyncadd.s32 $0xFFFFC000  }
0x4a: {  	[tilespmem:s15], [sflag:$0x1] =	stream.indirect.gather [hbm4b:s4+s14], $0x80, s23, s14, $0xb8;
	[tilespmem:$0x18400] =	vst v63  }
0x4b: {  	_ =	swait.ge [sflag:s12], $0x4000  }
0x4c: {  	[sflag:s12] =	ssyncset.done $0x0  }
0x4d: {  	[sflag:s12] =	ssyncadd.s32 $0xFFFFC000  }
0x4e: {  	[spmem:s2] =	stream.indirect.scatter.add.f32 [tilespmem:s15], [sflag:$0x1], $0x80, s24, s14, $0xb8;
	[tilespmem:$0x18400] =	vst v63  }
0x4f: {  	_ =	swait.ge [sflag:s12], $0x4000  }
0x50: {  	[sflag:s12] =	ssyncset.done $0x0  }
0x51: {  	[sflag:s12] =	ssyncadd.s32 $0xFFFFC000  }
0x52: {  	[tilespmem:s15], [sflag:$0x1] =	stream.indirect.gather [hbm4b:s4+s14], $0x80, s26, s14, $0xb8;
	[tilespmem:$0x18400] =	vst v63  }
0x53: {  	_ =	swait.ge [sflag:s12], $0x4000  }
0x54: {  	[sflag:s12] =	ssyncset.done $0x0  }
0x55: {  	[sflag:s12] =	ssyncadd.s32 $0xFFFFC000  }
0x56: {  	[spmem:s2] =	stream.indirect.scatter.add.f32 [tilespmem:s15], [sflag:$0x1], $0x80, s28, s14, $0xb8;
	[tilespmem:$0x18400] =	vst v63  }
0x57: {  	_ =	swait.ge [sflag:s12], $0x4000  }
0x58: {  	[sflag:s12] =	ssyncset.done $0x0  }
0x59: {  	[sflag:s12] =	ssyncadd.s32 $0xFFFFC000  }
0x5a: {  	[tilespmem:s15], [sflag:$0x1] =	stream.indirect.gather [hbm4b:s4+s14], $0x80, s29, s14, $0xb8;
	[tilespmem:$0x18400] =	vst v63  }
0x5b: {  	_ =	swait.ge [sflag:s12], $0x4000  }
0x5c: {  	[sflag:s12] =	ssyncset.done $0x0  }
0x5d: {  	[sflag:s12] =	ssyncadd.s32 $0xFFFFC000  }
0x5e: {  	[spmem:s2] =	stream.indirect.scatter.add.f32 [tilespmem:s15], [sflag:$0x1], $0x80, s30, s14, $0xb8;
	[tilespmem:$0x18400] =	vst v63  }
0x5f: {  	_ =	swait.ge [sflag:s12], $0x4000  }
0x60: {  	s1 =	simm.s32 $0x80;
	s0 =	simm.s32 $0x100;
	[sflag:s12] =	ssyncset.done $0x0  }
.LBB2_2:
0x61: {  	s8 =	sadd.s32 s1, s10  }
0x62: {  	[sflag:s12] =	ssyncadd.s32 $0xFFFFC000;
	s25 =	smov.u32 s0;
	s7 =	sadd.s32 $0x80, s0  }
0x63: {  	[tilespmem:s3], [sflag:$0x1] =	stream.linear.gather [hbm4b:s8+s3], $0x400, $0x38;
	[tilespmem:$0x18400] =	vst v63  }
0x64: {  	p1 =	sne.s32 s0, $0x480;
	_ =	swait.ge [sflag:s12], $0x400  }
0x65: {  	[sflag:s12] =	ssyncset.done $0x0  }
0x66: {  	s0 =	sadd.s32 s1, s9;
	s1 =	smov.u32 s25;
	[sflag:s12] =	ssyncadd.s32 $0xFFFFFC00  }
0x67: {  	[tilespmem:s13], [sflag:$0x1] =	stream.linear.gather [hbm4b:s0+s3], $0x400, $0x38;
	[tilespmem:$0x18400] =	vst v63  }
0x68: {  	_ =	swait.ge [sflag:s12], $0x400  }
0x69: {  	[sflag:s12] =	ssyncset.done $0x0  }
0x6a: {  	[sflag:s12] =	ssyncadd.s32 $0xFFFFFC00  }
0x6b: {  	[tilespmem:s15], [sflag:$0x1] =	stream.indirect.gather [hbm4b:s4+s14], $0x80, s3, s14, $0xb8;
	[tilespmem:$0x18400] =	vst v63  }
0x6c: {  	_ =	swait.ge [sflag:s12], $0x4000  }
0x6d: {  	[sflag:s12] =	ssyncset.done $0x0  }
0x6e: {  	[sflag:s12] =	ssyncadd.s32 $0xFFFFC000  }
0x6f: {  	[spmem:s2] =	stream.indirect.scatter.add.f32 [tilespmem:s15], [sflag:$0x1], $0x80, s13, s14, $0xb8;
	[tilespmem:$0x18400] =	vst v63  }
0x70: {  	_ =	swait.ge [sflag:s12], $0x4000  }
0x71: {  	[sflag:s12] =	ssyncset.done $0x0  }
0x72: {  	[sflag:s12] =	ssyncadd.s32 $0xFFFFC000  }
0x73: {  	[tilespmem:s15], [sflag:$0x1] =	stream.indirect.gather [hbm4b:s4+s14], $0x80, s14, s14, $0xb8;
	[tilespmem:$0x18400] =	vst v63  }
0x74: {  	_ =	swait.ge [sflag:s12], $0x4000  }
0x75: {  	[sflag:s12] =	ssyncset.done $0x0  }
0x76: {  	[sflag:s12] =	ssyncadd.s32 $0xFFFFC000  }
0x77: {  	[spmem:s2] =	stream.indirect.scatter.add.f32 [tilespmem:s15], [sflag:$0x1], $0x80, s16, s14, $0xb8;
	[tilespmem:$0x18400] =	vst v63  }
0x78: {  	_ =	swait.ge [sflag:s12], $0x4000  }
0x79: {  	[sflag:s12] =	ssyncset.done $0x0  }
0x7a: {  	[sflag:s12] =	ssyncadd.s32 $0xFFFFC000  }
0x7b: {  	[tilespmem:s15], [sflag:$0x1] =	stream.indirect.gather [hbm4b:s4+s14], $0x80, s17, s14, $0xb8;
	[tilespmem:$0x18400] =	vst v63  }
0x7c: {  	_ =	swait.ge [sflag:s12], $0x4000  }
0x7d: {  	[sflag:s12] =	ssyncset.done $0x0  }
0x7e: {  	[sflag:s12] =	ssyncadd.s32 $0xFFFFC000  }
0x7f: {  	[spmem:s2] =	stream.indirect.scatter.add.f32 [tilespmem:s15], [sflag:$0x1], $0x80, s18, s14, $0xb8;
	[tilespmem:$0x18400] =	vst v63  }
0x80: {  	_ =	swait.ge [sflag:s12], $0x4000  }
0x81: {  	[sflag:s12] =	ssyncset.done $0x0  }
0x82: {  	[sflag:s12] =	ssyncadd.s32 $0xFFFFC000  }
0x83: {  	[tilespmem:s15], [sflag:$0x1] =	stream.indirect.gather [hbm4b:s4+s14], $0x80, s19, s14, $0xb8;
	[tilespmem:$0x18400] =	vst v63  }
0x84: {  	_ =	swait.ge [sflag:s12], $0x4000  }
0x85: {  	[sflag:s12] =	ssyncset.done $0x0  }
0x86: {  	[sflag:s12] =	ssyncadd.s32 $0xFFFFC000  }
0x87: {  	[spmem:s2] =	stream.indirect.scatter.add.f32 [tilespmem:s15], [sflag:$0x1], $0x80, s20, s14, $0xb8;
	[tilespmem:$0x18400] =	vst v63  }
0x88: {  	_ =	swait.ge [sflag:s12], $0x4000  }
0x89: {  	[sflag:s12] =	ssyncset.done $0x0  }
0x8a: {  	[sflag:s12] =	ssyncadd.s32 $0xFFFFC000  }
0x8b: {  	[tilespmem:s15], [sflag:$0x1] =	stream.indirect.gather [hbm4b:s4+s14], $0x80, s21, s14, $0xb8;
	[tilespmem:$0x18400] =	vst v63  }
0x8c: {  	_ =	swait.ge [sflag:s12], $0x4000  }
0x8d: {  	[sflag:s12] =	ssyncset.done $0x0  }
0x8e: {  	[sflag:s12] =	ssyncadd.s32 $0xFFFFC000  }
0x8f: {  	[spmem:s2] =	stream.indirect.scatter.add.f32 [tilespmem:s15], [sflag:$0x1], $0x80, s22, s14, $0xb8;
	[tilespmem:$0x18400] =	vst v63  }
0x90: {  	_ =	swait.ge [sflag:s12], $0x4000  }
0x91: {  	[sflag:s12] =	ssyncset.done $0x0  }
0x92: {  	[sflag:s12] =	ssyncadd.s32 $0xFFFFC000  }
0x93: {  	[tilespmem:s15], [sflag:$0x1] =	stream.indirect.gather [hbm4b:s4+s14], $0x80, s23, s14, $0xb8;
	[tilespmem:$0x18400] =	vst v63  }
0x94: {  	_ =	swait.ge [sflag:s12], $0x4000  }
0x95: {  	[sflag:s12] =	ssyncset.done $0x0  }
0x96: {  	[sflag:s12] =	ssyncadd.s32 $0xFFFFC000  }
0x97: {  	[spmem:s2] =	stream.indirect.scatter.add.f32 [tilespmem:s15], [sflag:$0x1], $0x80, s24, s14, $0xb8;
	[tilespmem:$0x18400] =	vst v63  }
0x98: {  	_ =	swait.ge [sflag:s12], $0x4000  }
0x99: {  	[sflag:s12] =	ssyncset.done $0x0  }
0x9a: {  	[sflag:s12] =	ssyncadd.s32 $0xFFFFC000  }
0x9b: {  	[tilespmem:s15], [sflag:$0x1] =	stream.indirect.gather [hbm4b:s4+s14], $0x80, s26, s14, $0xb8;
	[tilespmem:$0x18400] =	vst v63  }
0x9c: {  	_ =	swait.ge [sflag:s12], $0x4000  }
0x9d: {  	[sflag:s12] =	ssyncset.done $0x0  }
0x9e: {  	[sflag:s12] =	ssyncadd.s32 $0xFFFFC000  }
0x9f: {  	[spmem:s2] =	stream.indirect.scatter.add.f32 [tilespmem:s15], [sflag:$0x1], $0x80, s28, s14, $0xb8;
	[tilespmem:$0x18400] =	vst v63  }
0xa0: {  	_ =	swait.ge [sflag:s12], $0x4000  }
0xa1: {  	[sflag:s12] =	ssyncset.done $0x0  }
0xa2: {  	[sflag:s12] =	ssyncadd.s32 $0xFFFFC000  }
0xa3: {  	[tilespmem:s15], [sflag:$0x1] =	stream.indirect.gather [hbm4b:s4+s14], $0x80, s29, s14, $0xb8;
	[tilespmem:$0x18400] =	vst v63  }
0xa4: {  	_ =	swait.ge [sflag:s12], $0x4000  }
.Ltmp0:
0xa5: {  	[sflag:s12] =	ssyncset.done $0x0;
	(pc) =	sbr.rel @p1 .LBB2_2-.Ltmp0, $4  }
0xa6: {  	[sflag:s12] =	ssyncadd.s32 $0xFFFFC000  }
0xa7: {  	[spmem:s2] =	stream.indirect.scatter.add.f32 [tilespmem:s15], [sflag:$0x1], $0x80, s30, s14, $0xb8;
	[tilespmem:$0x18400] =	vst v63  }
0xa8: {  	_ =	swait.ge [sflag:s12], $0x4000  }
0xa9: {  	s0 =	smov.u32 s7;
	[sflag:s12] =	ssyncset.done $0x0  }
0xaa: {  	s0 =	sadd.s32 s1, s10;
	[sflag:s12] =	ssyncadd.s32 $0xFFFFC000  }
0xab: {  	[tilespmem:s3], [sflag:$0x1] =	stream.linear.gather [hbm4b:s0+s3], $0x400, $0x38;
	[tilespmem:$0x18400] =	vst v63  }
0xac: {  	_ =	swait.ge [sflag:s12], $0x400  }
0xad: {  	[sflag:s12] =	ssyncset.done $0x0  }
0xae: {  	s7 =	sadd.s32 s1, s9;
	[sflag:s12] =	ssyncadd.s32 $0xFFFFFC00  }
0xaf: {  	[tilespmem:s13], [sflag:$0x1] =	stream.linear.gather [hbm4b:s7+s3], $0x400, $0x38;
	[tilespmem:$0x18400] =	vst v63  }
0xb0: {  	_ =	swait.ge [sflag:s12], $0x400  }
0xb1: {  	[sflag:s12] =	ssyncset.done $0x0  }
0xb2: {  	[sflag:s12] =	ssyncadd.s32 $0xFFFFFC00  }
0xb3: {  	[tilespmem:s15], [sflag:$0x1] =	stream.indirect.gather [hbm4b:s4+s14], $0x80, s3, s14, $0xb8;
	[tilespmem:$0x18400] =	vst v63  }
0xb4: {  	_ =	swait.ge [sflag:s12], $0x4000  }
0xb5: {  	[sflag:s12] =	ssyncset.done $0x0  }
0xb6: {  	[sflag:s12] =	ssyncadd.s32 $0xFFFFC000  }
0xb7: {  	[spmem:s2] =	stream.indirect.scatter.add.f32 [tilespmem:s15], [sflag:$0x1], $0x80, s13, s14, $0xb8;
	[tilespmem:$0x18400] =	vst v63  }
0xb8: {  	_ =	swait.ge [sflag:s12], $0x4000  }
0xb9: {  	[sflag:s12] =	ssyncset.done $0x0  }
0xba: {  	[sflag:s12] =	ssyncadd.s32 $0xFFFFC000  }
0xbb: {  	[tilespmem:s15], [sflag:$0x1] =	stream.indirect.gather [hbm4b:s4+s14], $0x80, s14, s14, $0xb8;
	[tilespmem:$0x18400] =	vst v63  }
0xbc: {  	_ =	swait.ge [sflag:s12], $0x4000  }
0xbd: {  	[sflag:s12] =	ssyncset.done $0x0  }
0xbe: {  	[sflag:s12] =	ssyncadd.s32 $0xFFFFC000  }
0xbf: {  	[spmem:s2] =	stream.indirect.scatter.add.f32 [tilespmem:s15], [sflag:$0x1], $0x80, s16, s14, $0xb8;
	[tilespmem:$0x18400] =	vst v63  }
0xc0: {  	_ =	swait.ge [sflag:s12], $0x4000  }
0xc1: {  	[sflag:s12] =	ssyncset.done $0x0  }
0xc2: {  	[sflag:s12] =	ssyncadd.s32 $0xFFFFC000  }
0xc3: {  	[tilespmem:s15], [sflag:$0x1] =	stream.indirect.gather [hbm4b:s4+s14], $0x80, s17, s14, $0xb8;
	[tilespmem:$0x18400] =	vst v63  }
0xc4: {  	_ =	swait.ge [sflag:s12], $0x4000  }
0xc5: {  	[sflag:s12] =	ssyncset.done $0x0  }
0xc6: {  	[sflag:s12] =	ssyncadd.s32 $0xFFFFC000  }
0xc7: {  	[spmem:s2] =	stream.indirect.scatter.add.f32 [tilespmem:s15], [sflag:$0x1], $0x80, s18, s14, $0xb8;
	[tilespmem:$0x18400] =	vst v63  }
0xc8: {  	_ =	swait.ge [sflag:s12], $0x4000  }
0xc9: {  	[sflag:s12] =	ssyncset.done $0x0  }
0xca: {  	[sflag:s12] =	ssyncadd.s32 $0xFFFFC000  }
0xcb: {  	[tilespmem:s15], [sflag:$0x1] =	stream.indirect.gather [hbm4b:s4+s14], $0x80, s19, s14, $0xb8;
	[tilespmem:$0x18400] =	vst v63  }
0xcc: {  	_ =	swait.ge [sflag:s12], $0x4000  }
0xcd: {  	[sflag:s12] =	ssyncset.done $0x0  }
0xce: {  	[sflag:s12] =	ssyncadd.s32 $0xFFFFC000  }
0xcf: {  	[spmem:s2] =	stream.indirect.scatter.add.f32 [tilespmem:s15], [sflag:$0x1], $0x80, s20, s14, $0xb8;
	[tilespmem:$0x18400] =	vst v63  }
0xd0: {  	_ =	swait.ge [sflag:s12], $0x4000  }
0xd1: {  	[sflag:s12] =	ssyncset.done $0x0  }
0xd2: {  	[sflag:s12] =	ssyncadd.s32 $0xFFFFC000  }
0xd3: {  	[tilespmem:s15], [sflag:$0x1] =	stream.indirect.gather [hbm4b:s4+s14], $0x80, s21, s14, $0xb8;
	[tilespmem:$0x18400] =	vst v63  }
0xd4: {  	_ =	swait.ge [sflag:s12], $0x4000  }
0xd5: {  	[sflag:s12] =	ssyncset.done $0x0  }
0xd6: {  	[sflag:s12] =	ssyncadd.s32 $0xFFFFC000  }
0xd7: {  	[spmem:s2] =	stream.indirect.scatter.add.f32 [tilespmem:s15], [sflag:$0x1], $0x80, s22, s14, $0xb8;
	[tilespmem:$0x18400] =	vst v63  }
0xd8: {  	_ =	swait.ge [sflag:s12], $0x4000  }
0xd9: {  	[sflag:s12] =	ssyncset.done $0x0  }
0xda: {  	[sflag:s12] =	ssyncadd.s32 $0xFFFFC000  }
0xdb: {  	[tilespmem:s15], [sflag:$0x1] =	stream.indirect.gather [hbm4b:s4+s14], $0x80, s23, s14, $0xb8;
	[tilespmem:$0x18400] =	vst v63  }
0xdc: {  	_ =	swait.ge [sflag:s12], $0x4000  }
0xdd: {  	[sflag:s12] =	ssyncset.done $0x0  }
0xde: {  	[sflag:s12] =	ssyncadd.s32 $0xFFFFC000  }
0xdf: {  	[spmem:s2] =	stream.indirect.scatter.add.f32 [tilespmem:s15], [sflag:$0x1], $0x80, s24, s14, $0xb8;
	[tilespmem:$0x18400] =	vst v63  }
0xe0: {  	_ =	swait.ge [sflag:s12], $0x4000  }
0xe1: {  	[sflag:s12] =	ssyncset.done $0x0  }
0xe2: {  	[sflag:s12] =	ssyncadd.s32 $0xFFFFC000  }
0xe3: {  	[tilespmem:s15], [sflag:$0x1] =	stream.indirect.gather [hbm4b:s4+s14], $0x80, s26, s14, $0xb8;
	[tilespmem:$0x18400] =	vst v63  }
0xe4: {  	_ =	swait.ge [sflag:s12], $0x4000  }
0xe5: {  	[sflag:s12] =	ssyncset.done $0x0  }
0xe6: {  	[sflag:s12] =	ssyncadd.s32 $0xFFFFC000  }
0xe7: {  	[spmem:s2] =	stream.indirect.scatter.add.f32 [tilespmem:s15], [sflag:$0x1], $0x80, s28, s14, $0xb8;
	[tilespmem:$0x18400] =	vst v63  }
0xe8: {  	_ =	swait.ge [sflag:s12], $0x4000  }
0xe9: {  	[sflag:s12] =	ssyncset.done $0x0  }
0xea: {  	[sflag:s12] =	ssyncadd.s32 $0xFFFFC000  }
0xeb: {  	[tilespmem:s15], [sflag:$0x1] =	stream.indirect.gather [hbm4b:s4+s14], $0x80, s29, s14, $0xb8;
	[tilespmem:$0x18400] =	vst v63  }
0xec: {  	_ =	swait.ge [sflag:s12], $0x4000  }
0xed: {  	[sflag:s12] =	ssyncset.done $0x0  }
0xee: {  	[sflag:s12] =	ssyncadd.s32 $0xFFFFC000  }
0xef: {  	[spmem:s2] =	stream.indirect.scatter.add.f32 [tilespmem:s15], [sflag:$0x1], $0x80, s30, s14, $0xb8;
	[tilespmem:$0x18400] =	vst v63  }
0xf0: {  	_ =	swait.ge [sflag:s12], $0x4000  }
0xf1: {  	[sflag:s12] =	ssyncset.done $0x0  }
0xf2: {  	[sflag:s12] =	ssyncadd.s32 $0xFFFFC000  }
0xf3: {  	[bflag:$0x0] =	sbarrier.arrive $0xFFFF  }
0xf4: {  	[bflag:$0x0] =	sbarrier.arrive $0xFFFF  }
0xf5: {  	s0 =	rddreg [dreg:$0x5]  }
0xf6: {  	[spmem:s0], [sflag:s6] =	dma.local @!p0 [hbm:s5], $0x80  }
0xf7: {  	s0 =	simm.s32 @!p0 $0x1  }
0xf8: {  	_ =	swait.ge @!p0 [sflag:s0], $0x80  }
0xf9: {  	[sflag:s0] =	ssyncset.done @!p0 $0x0  }
0xfa: {  	[sflag:s0] =	ssyncadd.s32 @!p0 $0xFFFFFF80  }
0xfb: {  	[bflag:$0x0] =	sbarrier.arrive $0xFFFF  }
0xfc: {  	s8 =	rddreg [dreg:$0x3]  }
0xfd: {  	[hbm:s8], [sflag:s6] =	dma.local [spmem:s11], $0x2780  }
0xfe: {  	_ =	swait.ge [sflag:s12], $0x2780  }
0xff: {  	s31 =	sadd.s32 $0x1, s31;
	s25 =	rddreg [dreg:$0x4]  }
0x100: {  	p1 =	sne.s32 s31, s25  }
.Ltmp1:
0x101: {  	_ = 	snop;
	(pc) =	sbr.rel @p1 .LBB2_1-.Ltmp1, $3  }
0x102: {  	_ =	sdelay $0x1  }
0x103: {  	[sflag:s12] =	ssyncset.done $0x0  }
0x104: {  	[sflag:s12] =	ssyncadd.s32 $0xFFFFD880  }
0x105: {  	_ =	sfence.sel $0x180000  }
0x106: {  	[bflag:$0x0] =	sbarrier.arrive $0xFFFF  }
0x107: {  	_ =	strace $0x9000004D  }
0x108: {  	s0 =	stileid.u32;
	[bflag:$0x2] =	sbarrier.arrive $0xFFFF  }
0x109: {  	p0 =	sne.s32 s0, $0x0;
	s0 =	rddreg [dreg:$0x2]  }
0x10a: {  	s0 =	sadd.s32 @!p0 $0x100000, s0  }
0x10b: {  	[sflag:s0] =	ssyncadd.tile.s32 @!p0 $0x1;
	_ =	shalt  }
.Lfunc_end2:
_tile_overlayer_lowered:
.L_overlay_start_2:
0x10c: {  	(tag) =	ssettag $0x2  }
0x10d: {  	s0 =	rddreg [dreg:$0x0];
	s2 =	stileid.u32  }
0x10e: {  	s1 =	rddreg [dreg:$0x1];
	p0 =	sne.s32 s2, $0x0  }
0x10f: {  	s3 =	rddreg [dreg:$0x2];
	[bflag:$0x3] =	sbarrier.arrive $0xFFFF;
	s2 =	simm.s32 @!p0 $0x1C01  }
0x110: {  	[timem:s3], [sflag:s2] =	dma.local @!p0 [hbm:s0], s1  }
0x111: {  	s0 =	simm.s32 @!p0 $0x1  }
0x112: {  	_ =	swait.ge @!p0 [sflag:s0], s1  }
0x113: {  	s1 =	ssub.s32 @!p0 $0x0, s1;
	[sflag:s0] =	ssyncset.done @!p0 $0x0  }
0x114: {  	[sflag:s0] =	ssyncadd.s32 @!p0 s1  }
0x115: {  	[bflag:$0x3] =	sbarrier.arrive $0xFFFF  }
0x116: {  	_ =	shalt  }

// kernel: kernel.8.cloned.1.call-start
scs
__scs_entry_jumppad:
0x0: {  	(pc) =	sbr.rel $0x88, $3  }
0x1: {  	(tag) =	ssettag $0x0;
	lr =	simm.s32 $0x1  }
0x2: {  	[smem:$0x3F9A] =	sst lr;
	_ =	strace $0xD0000000  }
0x3: {  	_ = 	snop  }
0x4: {  	_ = 	snop  }
0x5: {  	_ = 	snop  }
0x6: {  	_ = 	snop  }
0x7: {  	_ = 	snop  }
__scs_overlays_trampoline_lowered:
0x8: {  	[smem:$0x3FA9] =	sst s0  }
0x9: {  	[smem:$0x3FAA] =	sst s1  }
0xa: {  	[smem:$0x3FAB] =	sst s2  }
0xb: {  	[smem:$0x3FAC] =	sst s3  }
0xc: {  	[smem:$0x3FAD] =	sst s4  }
0xd: {  	[smem:$0x3FAE] =	sst s5  }
0xe: {  	[smem:$0x3FAF] =	sst s6  }
0xf: {  	[smem:$0x3FB0] =	sst s7  }
0x10: {  	[smem:$0x3FB1] =	sst s8  }
0x11: {  	[smem:$0x3FB2] =	sst s9;
	s0 =	simm.s32 @!p0 $0x0  }
0x12: {  	s1 =	sld [smem:$0x3F98];
	s0 =	simm.s32 @p0 $0x1  }
0x13: {  	[smem:$0x3FB3] =	sst s0;
	s0 =	simm.s32 @!p1 $0x0  }
0x14: {  	s2 =	sld [smem:$0x3F97];
	s0 =	simm.s32 @p1 $0x1  }
0x15: {  	[smem:$0x3FB4] =	sst s0;
	s0 =	simm.s32 @!p2 $0x0  }
0x16: {  	s3 =	sld [smem:$0x3FDB];
	s0 =	simm.s32 @p2 $0x1  }
0x17: {  	s4 =	simm.s32 $0x1BF5;
	[smem:$0x3FB6] =	sst s0  }
0x18: {  	s0 =	sld [smem:$0x3F99];
	_ =	swait.ge [sflag:s4], $0x0  }
0x19: {  	s7 =	sld [smem:$0x3F9A]  }
0x1a: {  	s8 =	sadd.s32 $0xFFFFE003, lr  }
0x1b: {  	s9 =	sadd.s32 $0xFFFFFEF7, lr;
	s5 =	simm.s32 $0xFFFFFFFF;
	p2 =	slt.u32 s8, $0xFFFFF086  }
0x1c: {  	p1 =	slt.u32 s9, $0xF7A;
	s5 =	simm.s32 @!p2 $0x0  }
0x1d: {  	s5 =	simm.s32 @p1 $0x1;
	p0 =	seq.s32 s7, s2  }
0x1e: {  	s7 =	smul.u32 @!p0 $0xF7A, s2;
	p2 =	seq.s32 @!p0 s5, $0x0  }
0x1f: {  	s9 =	smul.u32 $0xF7A, s1;
	s8 =	simm.s32 @!p0 $0x1BF5;
	p2 =	por !p2, p0  }
0x20: {  	[sflag:s8] =	ssyncset.s32 @!p0 $0xFFFFF086;
	s6 =	sadd.s32 @!p0 s3, s7;
	s7 =	simm.s32 @!p0 $0x108  }
0x21: {  	s3 =	sadd.s32 s3, s9;
	s6 =	sadd.s32 @!p0 $0x88, s6;
	s7 =	simm.s32 @p2 $0x1082  }
0x22: {  	[simem:s7], [sflag:s8] =	dma.local @!p0 [hbm:s6], $0xF7A  }
0x23: {  	s9 =	sor.u32 $0xD0000000, s2;
	s6 =	simm.s32 $0x108;
	_ =	swait.ge @!p0 [sflag:s8], $0x0  }
0x24: {  	s3 =	sadd.s32 $0x88, s3;
	s6 =	simm.s32 @!p1 $0x1082;
	[sflag:s4] =	ssyncset.s32 $0xFFFFF086  }
0x25: {  	[simem:s6], [sflag:s4] =	dma.local [hbm:s3], $0xF7A  }
0x26: {  	[smem:$0x3F9A] =	sst s1;
	(tag) =	ssettag s2;
	_ =	strace s9  }
0x27: {  	s1 =	sld [smem:$0x3FAA]  }
0x28: {  	s2 =	sld [smem:$0x3FAB]  }
0x29: {  	s4 =	sld [smem:$0x3FAD]  }
0x2a: {  	p0 =	seq.s32 s5, $0x0;
	s5 =	sld [smem:$0x3FAE]  }
0x2b: {  	s6 =	sld [smem:$0x3FAF]  }
0x2c: {  	s7 =	sld [smem:$0x3FB0]  }
0x2d: {  	s3 =	simm.s32 $0x108;
	s8 =	sld [smem:$0x3FB1]  }
0x2e: {  	s3 =	simm.s32 @!p0 $0x1082;
	s9 =	sld [smem:$0x3FB2]  }
0x2f: {  	lr =	sadd.s32 s0, s3;
	s0 =	sld [smem:$0x3FA9]  }
0x30: {  	s3 =	sld [smem:$0x3FAC]  }
0x31: {  	[smem:$0x3FB5] =	sst s10  }
0x32: {  	s10 =	sld [smem:$0x3FB3];
	_ =	sdelay $0x3  }
0x33: {  	p0 =	seq.s32 s10, $0x1;
	s10 =	sld [smem:$0x3FB5];
	_ =	sdelay $0x3  }
0x34: {  	[smem:$0x3FB5] =	sst s10  }
0x35: {  	s10 =	sld [smem:$0x3FB4];
	_ =	sdelay $0x3  }
0x36: {  	p1 =	seq.s32 s10, $0x1;
	s10 =	sld [smem:$0x3FB5];
	_ =	sdelay $0x3  }
0x37: {  	[smem:$0x3FB5] =	sst s10  }
0x38: {  	s10 =	sld [smem:$0x3FB6]  }
0x39: {  	_ = 	snop;
	(pc) =	sbr.ind lr, $3  }
0x3a: {  	_ = 	snop  }
0x3b: {  	_ = 	snop  }
0x3c: {  	p2 =	seq.s32 s10, $0x1;
	s10 =	sld [smem:$0x3FB5]  }
0x3d: {  	_ =	shalt  }
0x3e: {  	_ =	shalt  }
0x3f: {  	_ =	shalt  }
0x40: {  	_ =	shalt  }
0x41: {  	_ =	shalt  }
0x42: {  	_ =	shalt  }
0x43: {  	_ =	shalt  }
0x44: {  	_ =	shalt  }
0x45: {  	_ =	shalt  }
0x46: {  	_ =	shalt  }
0x47: {  	_ =	shalt  }
0x48: {  	_ =	shalt  }
0x49: {  	_ =	shalt  }
0x4a: {  	_ =	shalt  }
0x4b: {  	_ =	shalt  }
0x4c: {  	_ =	shalt  }
0x4d: {  	_ =	shalt  }
0x4e: {  	_ =	shalt  }
0x4f: {  	_ =	shalt  }
0x50: {  	_ =	shalt  }
0x51: {  	_ =	shalt  }
0x52: {  	_ =	shalt  }
0x53: {  	_ =	shalt  }
0x54: {  	_ =	shalt  }
0x55: {  	_ =	shalt  }
0x56: {  	_ =	shalt  }
0x57: {  	_ =	shalt  }
0x58: {  	_ =	shalt  }
0x59: {  	_ =	shalt  }
0x5a: {  	_ =	shalt  }
0x5b: {  	_ =	shalt  }
0x5c: {  	_ =	shalt  }
0x5d: {  	_ =	shalt  }
0x5e: {  	_ =	shalt  }
0x5f: {  	_ =	shalt  }
0x60: {  	_ =	shalt  }
0x61: {  	_ =	shalt  }
0x62: {  	_ =	shalt  }
0x63: {  	_ =	shalt  }
0x64: {  	_ =	shalt  }
0x65: {  	_ =	shalt  }
0x66: {  	_ =	shalt  }
0x67: {  	_ =	shalt  }
0x68: {  	_ =	shalt  }
0x69: {  	_ =	shalt  }
0x6a: {  	_ =	shalt  }
0x6b: {  	_ =	shalt  }
0x6c: {  	_ =	shalt  }
0x6d: {  	_ =	shalt  }
0x6e: {  	_ =	shalt  }
0x6f: {  	_ =	shalt  }
0x70: {  	_ =	shalt  }
0x71: {  	_ =	shalt  }
0x72: {  	_ =	shalt  }
0x73: {  	_ =	shalt  }
0x74: {  	_ =	shalt  }
0x75: {  	_ =	shalt  }
0x76: {  	_ =	shalt  }
0x77: {  	_ =	shalt  }
0x78: {  	_ =	shalt  }
0x79: {  	_ =	shalt  }
0x7a: {  	_ =	shalt  }
0x7b: {  	_ =	shalt  }
0x7c: {  	_ =	shalt  }
0x7d: {  	_ =	shalt  }
0x7e: {  	_ =	shalt  }
0x7f: {  	_ =	shalt  }
0x80: {  	_ =	shalt  }
0x81: {  	_ =	shalt  }
0x82: {  	_ =	shalt  }
0x83: {  	_ =	shalt  }
0x84: {  	_ =	shalt  }
0x85: {  	_ =	shalt  }
0x86: {  	_ =	shalt  }
0x87: {  	_ =	shalt  }
.Lfunc_end0:
.L_simem_size_0:
called_computation_lowered:
.L_overlay_start_0:
0x88: {  	s2 =	sld [smem:$0x3FD9]  }
0x89: {  	s3 =	sld [smem:$0x3FFE];
	_ =	sdelay $0x1  }
0x8a: {  	s1 =	srdreg.scid  }
0x8b: {  	s0 =	sand.u32 $0x1, s1  }
0x8c: {  	s16 =	sshll.u32 s0, $0xA;
	s2 =	sadd.s32 s3, s2  }
0x8d: {  	s2 =	sadd.s32 s2, s16  }
0x8e: {  	[smem:$0x3FC1] =	sst s2  }
0x8f: {  	_ = 	snop  }
0x90: {  	(tm) =	ssettm $0x1  }
0x91: {  	s17 =	sld [smem:$0x3FFB];
	_ =	sdelay $0x3  }
0x92: {  	_ =	strace s17  }
0x93: {  	s2 =	sld [smem:$0x3FFC];
	_ =	sdelay $0x3  }
0x94: {  	_ =	strace s2  }
0x95: {  	s2 =	sld [smem:$0x3FFD];
	_ =	sdelay $0x3  }
0x96: {  	_ =	strace s2  }
0x97: {  	_ =	strace $0x8FFFFFFF  }
0x98: {  	s18 =	sld [smem:$0x3FDB];
	_ =	sdelay $0x1  }
0x99: {  	s19 =	simm.s32 $_scs_section_size  }
0x9a: {  	s4 =	simm.s32 $_size__tile_overlayer_lowered;
	s5 =	simm.s32 $_tile_overlayer_lowered  }
0x9b: {  	s22 =	simm.s32 $0x1BFF;
	s21 =	sshll.u32 s5, $0x1;
	s2 =	sadd.s32 s19, s18  }
0x9c: {  	s6 =	simm.s32 $0x0;
	s20 =	sshll.u32 s4, $0x1;
	s4 =	sadd.s32 s21, s2  }
0x9d: {  	[timem:s6], [sflag:s22] =	dma.local [hbm:s4], s20  }
0x9e: {  	_ =	swait.ge [sflag:s22], s20  }
0x9f: {  	s3 =	ssub.s32 $0x0, s20;
	[sflag:s22] =	ssyncset.done $0x0  }
0xa0: {  	[sflag:s22] =	ssyncadd.s32 s3;
	_ =	sdelay $0x1  }
0xa1: {  	s23 =	simm.s32 $0x1B8B  }
0xa2: {  	_ =	swait.ge [sflag:s23], $0x1  }
0xa3: {  	[sflag:s23] =	ssyncset.done $0x0  }
0xa4: {  	s25 =	simm.s32 $0x1B8E;
	s24 =	sld [smem:$0x3FFE];
	[sflag:s23] =	ssyncadd.s32 $0xFFFFFFFF  }
0xa5: {  	s26 =	simm.s32 $execute0_lowered;
	[smem:$0x3FD2] =	sst s25  }
0xa6: {  	s4 =	sshll.u32 s26, $0x1;
	_ =	strace $0x80000046;
	[dreg:$0x1] =	wrdreg $0xFFFFFFFF  }
0xa7: {  	s28 =	simm.s32 $_size_execute0_lowered;
	s2 =	sadd.s32 s2, s4;
	[dreg:$0x0] =	wrdreg $0x0  }
0xa8: {  	s4 =	sshll.u32 s28, $0x1;
	[dreg:$0x2] =	wrdreg s2  }
0xa9: {  	[dreg:$0x3] =	wrdreg s4  }
0xaa: {  	[dreg:$0x4] =	wrdreg $0xC0  }
0xab: {  	_ =	task [dreg:s6], $0x5FFFF  }
0xac: {  	[dreg:$0x1] =	wrdreg $0xFFFFFFFF  }
0xad: {  	[dreg:$0x0] =	wrdreg $0x60  }
0xae: {  	[dreg:$0x2] =	wrdreg s24  }
0xaf: {  	[dreg:$0x3] =	wrdreg $0x44000  }
0xb0: {  	[dreg:$0x4] =	wrdreg $0x9  }
0xb1: {  	_ =	task.clear_ibuf [dreg:s6], $0x5FFFF;
	_ =	strace $0x90000046  }
0xb2: {  	s29 =	simm.s32 $0x9;
	_ =	strace $0x80000048  }
0xb3: {  	_ =	swait.ge [sflag:s29], $0x1  }
0xb4: {  	[sflag:s29] =	ssyncadd.s32 $0xFFFFFFFF  }
0xb5: {  	_ =	strace $0x90000048  }
0xb6: {  	_ =	sfence  }
0xb7: {  	s30 =	sld [smem:$0x0];
	_ =	sdelay $0x2  }
0xb8: {  	s31 =	sshll.u32 s1, $0xD;
	s1 =	sshrl.u32 s1, $0x2  }
0xb9: {  	s3 =	sand.u32 $0x4000, s31;
	s1 =	sadd.s32 s1, s30  }
0xba: {  	s0 =	sor.u32 s3, s0;
	s1 =	sshll.u32 s1, $0x11  }
0xbb: {  	s0 =	sor.u32 s1, s0  }
0xbc: {  	s0 =	sadd.s32 $0x8F2B, s0  }
0xbd: {  	[sflag:s0] =	ssyncadd.remote.s32 $0x1  }
0xbe: {  	_ =	sfence.sel $0xFFFF  }
0xbf: {  	[dreg:$0x0] =	wrdreg $0xFFFFFFFF;
	(pc) =	sbr.abs _section_cstart, $3  }
0xc0: {  	[dreg:$0x1] =	wrdreg $0xFFFFFFFF  }
0xc1: {  	_ =	task.clear_ibuf [dreg:s6], $0x2FFFF;
	_ =	strace $0x9FFFFFFF  }
0xc2: {  	(tm) =	ssettm $0x7FFFFFFF  }
0xc3: {  	_ =	shalt  }
tec
execute0_lowered:
.L_overlay_start_1:
0x0: {  	(tag) =	ssettag $0x1  }
0x1: {  	s6 =	rddreg [dreg:$0x0]  }
0x2: {  	s2 =	rddreg [dreg:$0x1]  }
0x3: {  	s0 =	srdreg.scid;
	s1 =	rddreg [dreg:$0x2]  }
0x4: {  	s3 =	simm.s32 $0x0;
	s13 =	simm.s32 $0x80;
	s14 =	simm.s32 $0x100  }
0x5: {  	s15 =	simm.s32 $0x180;
	s16 =	simm.s32 $0x200;
	s7 =	sand.u32 $0x1, s0  }
0x6: {  	s17 =	simm.s32 $0x280;
	s0 =	stileid.u32;
	s4 =	smul.u32 $0x28000, s7  }
0x7: {  	s18 =	simm.s32 $0x300;
	s19 =	simm.s32 $0x380;
	s5 =	smul.u32 $0x2800, s0  }
0x8: {  	s20 =	simm.s32 $0x0;
	[smem:$0x7FF] =	sst s3;
	s30 =	smul.u32 $0x13C000, s7  }
0x9: {  	s8 =	smul.u32 $0x13C00, s0;
	_ =	strace $0x80000047;
	s7 =	ssub.s32 $0x2, s7  }
0xa: {  	s10 =	smul.u32 $0x4F000, s0;
	s11 =	sshll.u32 s0, $0x6;
	s31 =	sshrl.u32 s7, $0x1  }
0xb: {  	s11 =	sor.u32 $0x1C01, s11;
	s4 =	sadd.s32 s5, s4;
	s8 =	sadd.s32 s8, s30  }
0xc: {  	s5 =	sadd.s32 $0xC000, s6;
	s10 =	sshrl.u32 s10, $0x2;
	s7 =	ssub.s32 s7, s31  }
0xd: {  	s4 =	sshrl.u32 s4, $0x3;
	s8 =	sshrl.u32 s8, $0x3;
	s12 =	sadd.s32 s10, s2  }
0xe: {  	s7 =	smax.u32 s7, $0x1;
	s10 =	simm.s32 $0x1;
	s9 =	sadd.s32 s4, s6  }
0xf: {  	s4 =	sadd.s32 $0xE800, s6;
	s6 =	sadd.s32 s8, s6;
	s12 =	sshrl.u32 s12, $0x3  }
0x10: {  	s6 =	sadd.s32 $0xF000, s6;
	s8 =	sadd.s32 $0x2000, s9;
	s9 =	simm.s32 $0x400  }
.LBB2_1:
0x11: {  	[tilespmem:s9], [sflag:$0x1] =	stream.linear.gather [hbm4b:s4+s3], $0x4000, $0x38;
	[tilespmem:$0x18000] =	vst v63  }
0x12: {  	_ =	swait.ge [sflag:s10], $0x4000  }
0x13: {  	[sflag:s10] =	ssyncset.done $0x0  }
0x14: {  	[sflag:s10] =	ssyncadd.s32 $0xFFFFC000  }
0x15: {  	[spmem:s12], [sflag:s11] =	dma.local [hbm:s5], $0x2780  }
0x16: {  	_ =	swait.ge [sflag:s10], $0x2780  }
0x17: {  	[sflag:s10] =	ssyncset.done $0x0  }
0x18: {  	[sflag:s10] =	ssyncadd.s32 $0xFFFFD880  }
0x19: {  	s21 =	sadd.s32 $0x0, s8;
	[bflag:$0x0] =	sbarrier.arrive $0xFFFF  }
0x1a: {  	[tilespmem:s3], [sflag:$0x1] =	stream.linear.gather [hbm4b:s21+s3], $0x400, $0x38;
	[tilespmem:$0x18000] =	vst v63  }
0x1b: {  	_ =	swait.ge [sflag:s10], $0x400  }
0x1c: {  	[sflag:s10] =	ssyncset.done $0x0  }
0x1d: {  	[sflag:s10] =	ssyncadd.s32 $0xFFFFFC00  }
0x1e: {  	[spmem:s2] =	stream.indirect.scatter.add.f32 [tilespmem:s9], [sflag:$0x1], $0x80, s3, s13, $0xb8;
	[tilespmem:$0x18000] =	vst v63  }
0x1f: {  	_ =	swait.ge [sflag:s10], $0x4000  }
0x20: {  	[sflag:s10] =	ssyncset.done $0x0  }
0x21: {  	[sflag:s10] =	ssyncadd.s32 $0xFFFFC000  }
0x22: {  	[spmem:s2] =	stream.indirect.scatter.add.f32 [tilespmem:s9], [sflag:$0x1], $0x80, s13, s13, $0xb8;
	[tilespmem:$0x18000] =	vst v63  }
0x23: {  	_ =	swait.ge [sflag:s10], $0x4000  }
0x24: {  	[sflag:s10] =	ssyncset.done $0x0  }
0x25: {  	[sflag:s10] =	ssyncadd.s32 $0xFFFFC000  }
0x26: {  	[spmem:s2] =	stream.indirect.scatter.add.f32 [tilespmem:s9], [sflag:$0x1], $0x80, s14, s13, $0xb8;
	[tilespmem:$0x18000] =	vst v63  }
0x27: {  	_ =	swait.ge [sflag:s10], $0x4000  }
0x28: {  	[sflag:s10] =	ssyncset.done $0x0  }
0x29: {  	[sflag:s10] =	ssyncadd.s32 $0xFFFFC000  }
0x2a: {  	[spmem:s2] =	stream.indirect.scatter.add.f32 [tilespmem:s9], [sflag:$0x1], $0x80, s15, s13, $0xb8;
	[tilespmem:$0x18000] =	vst v63  }
0x2b: {  	_ =	swait.ge [sflag:s10], $0x4000  }
0x2c: {  	[sflag:s10] =	ssyncset.done $0x0  }
0x2d: {  	[sflag:s10] =	ssyncadd.s32 $0xFFFFC000  }
0x2e: {  	[spmem:s2] =	stream.indirect.scatter.add.f32 [tilespmem:s9], [sflag:$0x1], $0x80, s16, s13, $0xb8;
	[tilespmem:$0x18000] =	vst v63  }
0x2f: {  	_ =	swait.ge [sflag:s10], $0x4000  }
0x30: {  	[sflag:s10] =	ssyncset.done $0x0  }
0x31: {  	[sflag:s10] =	ssyncadd.s32 $0xFFFFC000  }
0x32: {  	[spmem:s2] =	stream.indirect.scatter.add.f32 [tilespmem:s9], [sflag:$0x1], $0x80, s17, s13, $0xb8;
	[tilespmem:$0x18000] =	vst v63  }
0x33: {  	_ =	swait.ge [sflag:s10], $0x4000  }
0x34: {  	[sflag:s10] =	ssyncset.done $0x0  }
0x35: {  	[sflag:s10] =	ssyncadd.s32 $0xFFFFC000  }
0x36: {  	[spmem:s2] =	stream.indirect.scatter.add.f32 [tilespmem:s9], [sflag:$0x1], $0x80, s18, s13, $0xb8;
	[tilespmem:$0x18000] =	vst v63  }
0x37: {  	_ =	swait.ge [sflag:s10], $0x4000  }
0x38: {  	[sflag:s10] =	ssyncset.done $0x0  }
0x39: {  	[sflag:s10] =	ssyncadd.s32 $0xFFFFC000  }
0x3a: {  	[spmem:s2] =	stream.indirect.scatter.add.f32 [tilespmem:s9], [sflag:$0x1], $0x80, s19, s13, $0xb8;
	[tilespmem:$0x18000] =	vst v63  }
0x3b: {  	_ =	swait.ge [sflag:s10], $0x4000  }
0x3c: {  	s23 =	simm.s32 $0x100;
	s21 =	simm.s32 $0x80;
	[sflag:s10] =	ssyncset.done $0x0  }
.LBB2_2:
0x3d: {  	s24 =	sadd.s32 s21, s8  }
0x3e: {  	[sflag:s10] =	ssyncadd.s32 $0xFFFFC000;
	s21 =	smov.u32 s23;
	s22 =	sadd.s32 $0x80, s23  }
0x3f: {  	[tilespmem:s3], [sflag:$0x1] =	stream.linear.gather [hbm4b:s24+s3], $0x400, $0x38;
	[tilespmem:$0x18000] =	vst v63  }
0x40: {  	p0 =	sne.s32 s23, $0x480;
	_ =	swait.ge [sflag:s10], $0x400  }
0x41: {  	[sflag:s10] =	ssyncset.done $0x0  }
0x42: {  	[sflag:s10] =	ssyncadd.s32 $0xFFFFFC00  }
0x43: {  	[spmem:s2] =	stream.indirect.scatter.add.f32 [tilespmem:s9], [sflag:$0x1], $0x80, s3, s13, $0xb8;
	[tilespmem:$0x18000] =	vst v63  }
0x44: {  	_ =	swait.ge [sflag:s10], $0x4000  }
0x45: {  	[sflag:s10] =	ssyncset.done $0x0  }
0x46: {  	[sflag:s10] =	ssyncadd.s32 $0xFFFFC000  }
0x47: {  	[spmem:s2] =	stream.indirect.scatter.add.f32 [tilespmem:s9], [sflag:$0x1], $0x80, s13, s13, $0xb8;
	[tilespmem:$0x18000] =	vst v63  }
0x48: {  	_ =	swait.ge [sflag:s10], $0x4000  }
0x49: {  	[sflag:s10] =	ssyncset.done $0x0  }
0x4a: {  	[sflag:s10] =	ssyncadd.s32 $0xFFFFC000  }
0x4b: {  	[spmem:s2] =	stream.indirect.scatter.add.f32 [tilespmem:s9], [sflag:$0x1], $0x80, s14, s13, $0xb8;
	[tilespmem:$0x18000] =	vst v63  }
0x4c: {  	_ =	swait.ge [sflag:s10], $0x4000  }
0x4d: {  	[sflag:s10] =	ssyncset.done $0x0  }
0x4e: {  	[sflag:s10] =	ssyncadd.s32 $0xFFFFC000  }
0x4f: {  	[spmem:s2] =	stream.indirect.scatter.add.f32 [tilespmem:s9], [sflag:$0x1], $0x80, s15, s13, $0xb8;
	[tilespmem:$0x18000] =	vst v63  }
0x50: {  	_ =	swait.ge [sflag:s10], $0x4000  }
0x51: {  	[sflag:s10] =	ssyncset.done $0x0  }
0x52: {  	[sflag:s10] =	ssyncadd.s32 $0xFFFFC000  }
0x53: {  	[spmem:s2] =	stream.indirect.scatter.add.f32 [tilespmem:s9], [sflag:$0x1], $0x80, s16, s13, $0xb8;
	[tilespmem:$0x18000] =	vst v63  }
0x54: {  	_ =	swait.ge [sflag:s10], $0x4000  }
0x55: {  	[sflag:s10] =	ssyncset.done $0x0  }
0x56: {  	[sflag:s10] =	ssyncadd.s32 $0xFFFFC000  }
0x57: {  	[spmem:s2] =	stream.indirect.scatter.add.f32 [tilespmem:s9], [sflag:$0x1], $0x80, s17, s13, $0xb8;
	[tilespmem:$0x18000] =	vst v63  }
0x58: {  	_ =	swait.ge [sflag:s10], $0x4000  }
0x59: {  	[sflag:s10] =	ssyncset.done $0x0  }
0x5a: {  	[sflag:s10] =	ssyncadd.s32 $0xFFFFC000  }
0x5b: {  	[spmem:s2] =	stream.indirect.scatter.add.f32 [tilespmem:s9], [sflag:$0x1], $0x80, s18, s13, $0xb8;
	[tilespmem:$0x18000] =	vst v63  }
0x5c: {  	_ =	swait.ge [sflag:s10], $0x4000  }
.Ltmp0:
0x5d: {  	[sflag:s10] =	ssyncset.done $0x0;
	(pc) =	sbr.rel @p0 .LBB2_2-.Ltmp0, $4  }
0x5e: {  	[sflag:s10] =	ssyncadd.s32 $0xFFFFC000  }
0x5f: {  	[spmem:s2] =	stream.indirect.scatter.add.f32 [tilespmem:s9], [sflag:$0x1], $0x80, s19, s13, $0xb8;
	[tilespmem:$0x18000] =	vst v63  }
0x60: {  	_ =	swait.ge [sflag:s10], $0x4000  }
0x61: {  	s23 =	smov.u32 s22;
	[sflag:s10] =	ssyncset.done $0x0  }
0x62: {  	s21 =	sadd.s32 s21, s8;
	[sflag:s10] =	ssyncadd.s32 $0xFFFFC000  }
0x63: {  	[tilespmem:s3], [sflag:$0x1] =	stream.linear.gather [hbm4b:s21+s3], $0x400, $0x38;
	[tilespmem:$0x18000] =	vst v63  }
0x64: {  	_ =	swait.ge [sflag:s10], $0x400  }
0x65: {  	[sflag:s10] =	ssyncset.done $0x0  }
0x66: {  	[sflag:s10] =	ssyncadd.s32 $0xFFFFFC00  }
0x67: {  	[spmem:s2] =	stream.indirect.scatter.add.f32 [tilespmem:s9], [sflag:$0x1], $0x80, s3, s13, $0xb8;
	[tilespmem:$0x18000] =	vst v63  }
0x68: {  	_ =	swait.ge [sflag:s10], $0x4000  }
0x69: {  	[sflag:s10] =	ssyncset.done $0x0  }
0x6a: {  	[sflag:s10] =	ssyncadd.s32 $0xFFFFC000  }
0x6b: {  	[spmem:s2] =	stream.indirect.scatter.add.f32 [tilespmem:s9], [sflag:$0x1], $0x80, s13, s13, $0xb8;
	[tilespmem:$0x18000] =	vst v63  }
0x6c: {  	_ =	swait.ge [sflag:s10], $0x4000  }
0x6d: {  	[sflag:s10] =	ssyncset.done $0x0  }
0x6e: {  	[sflag:s10] =	ssyncadd.s32 $0xFFFFC000  }
0x6f: {  	[spmem:s2] =	stream.indirect.scatter.add.f32 [tilespmem:s9], [sflag:$0x1], $0x80, s14, s13, $0xb8;
	[tilespmem:$0x18000] =	vst v63  }
0x70: {  	_ =	swait.ge [sflag:s10], $0x4000  }
0x71: {  	[sflag:s10] =	ssyncset.done $0x0  }
0x72: {  	[sflag:s10] =	ssyncadd.s32 $0xFFFFC000  }
0x73: {  	[spmem:s2] =	stream.indirect.scatter.add.f32 [tilespmem:s9], [sflag:$0x1], $0x80, s15, s13, $0xb8;
	[tilespmem:$0x18000] =	vst v63  }
0x74: {  	_ =	swait.ge [sflag:s10], $0x4000  }
0x75: {  	[sflag:s10] =	ssyncset.done $0x0  }
0x76: {  	[sflag:s10] =	ssyncadd.s32 $0xFFFFC000  }
0x77: {  	[spmem:s2] =	stream.indirect.scatter.add.f32 [tilespmem:s9], [sflag:$0x1], $0x80, s16, s13, $0xb8;
	[tilespmem:$0x18000] =	vst v63  }
0x78: {  	_ =	swait.ge [sflag:s10], $0x4000  }
0x79: {  	[sflag:s10] =	ssyncset.done $0x0  }
0x7a: {  	[sflag:s10] =	ssyncadd.s32 $0xFFFFC000  }
0x7b: {  	[spmem:s2] =	stream.indirect.scatter.add.f32 [tilespmem:s9], [sflag:$0x1], $0x80, s17, s13, $0xb8;
	[tilespmem:$0x18000] =	vst v63  }
0x7c: {  	_ =	swait.ge [sflag:s10], $0x4000  }
0x7d: {  	[sflag:s10] =	ssyncset.done $0x0  }
0x7e: {  	[sflag:s10] =	ssyncadd.s32 $0xFFFFC000  }
0x7f: {  	[spmem:s2] =	stream.indirect.scatter.add.f32 [tilespmem:s9], [sflag:$0x1], $0x80, s18, s13, $0xb8;
	[tilespmem:$0x18000] =	vst v63  }
0x80: {  	_ =	swait.ge [sflag:s10], $0x4000  }
0x81: {  	[sflag:s10] =	ssyncset.done $0x0  }
0x82: {  	[sflag:s10] =	ssyncadd.s32 $0xFFFFC000  }
0x83: {  	[spmem:s2] =	stream.indirect.scatter.add.f32 [tilespmem:s9], [sflag:$0x1], $0x80, s19, s13, $0xb8;
	[tilespmem:$0x18000] =	vst v63  }
0x84: {  	_ =	swait.ge [sflag:s10], $0x4000  }
0x85: {  	s20 =	sadd.s32 $0x1, s20;
	[sflag:s10] =	ssyncset.done $0x0  }
0x86: {  	p0 =	sne.s32 s20, s7;
	[sflag:s10] =	ssyncadd.s32 $0xFFFFC000  }
.Ltmp1:
0x87: {  	[bflag:$0x0] =	sbarrier.arrive $0xFFFF;
	(pc) =	sbr.rel @p0 .LBB2_1-.Ltmp1, $4  }
0x88: {  	[hbm:s6], [sflag:s11] =	dma.local [spmem:s12], $0x2780  }
0x89: {  	_ =	swait.ge [sflag:s10], $0x2780  }
0x8a: {  	[sflag:s10] =	ssyncset.done $0x0  }
0x8b: {  	[sflag:s10] =	ssyncadd.s32 $0xFFFFD880  }
0x8c: {  	_ =	sfence.sel $0x180000  }
0x8d: {  	[bflag:$0x0] =	sbarrier.arrive $0xFFFF  }
0x8e: {  	p0 =	sne.s32 s0, $0x0;
	_ =	strace $0x90000047  }
0x8f: {  	s0 =	sadd.s32 @!p0 $0x100000, s1;
	[bflag:$0x2] =	sbarrier.arrive $0xFFFF  }
0x90: {  	[sflag:s0] =	ssyncadd.tile.s32 @!p0 $0x1;
	_ =	shalt  }
.Lfunc_end2:
_tile_overlayer_lowered:
.L_overlay_start_2:
0x91: {  	(tag) =	ssettag $0x2  }
0x92: {  	s0 =	rddreg [dreg:$0x0];
	s2 =	stileid.u32  }
0x93: {  	s1 =	rddreg [dreg:$0x1];
	p0 =	sne.s32 s2, $0x0  }
0x94: {  	s3 =	rddreg [dreg:$0x2];
	[bflag:$0x3] =	sbarrier.arrive $0xFFFF;
	s2 =	simm.s32 @!p0 $0x1C01  }
0x95: {  	[timem:s3], [sflag:s2] =	dma.local @!p0 [hbm:s0], s1  }
0x96: {  	s0 =	simm.s32 @!p0 $0x1  }
0x97: {  	_ =	swait.ge @!p0 [sflag:s0], s1  }
0x98: {  	s1 =	ssub.s32 @!p0 $0x0, s1;
	[sflag:s0] =	ssyncset.done @!p0 $0x0  }
0x99: {  	[sflag:s0] =	ssyncadd.s32 @!p0 s1  }
0x9a: {  	[bflag:$0x3] =	sbarrier.arrive $0xFFFF  }
0x9b: {  	_ =	shalt  }

</sc_bundles>
